<compile_context>
chip_gen: v7x
topology: tpu7x:2x2x1
jax: 0.10.2.dev20260603
libtpu: 0.0.44.dev20260713+nightly
codegen_flags: <defaults>
</compile_context>

<pallas_src>
import functools

import jax
import jax.numpy as jnp
from jax import lax
from jax.experimental import pallas as pl
from jax.experimental.pallas import tpu as pltpu
from jax.experimental.pallas import tpu_sc as plsc

NUM_ITEMS = 1000000
D = 32
B = 16384
NC = 2
NS = 16
L = 16
HITEMS = B // NC
ICH = 128
NCHUNK = HITEMS // ICH
SIG = HITEMS // NS

TBLK = 2048
TNB = -(-NUM_ITEMS // TBLK)
TRSPAN = TNB * 8 * TBLK

_mesh = plsc.VectorSubcoreMesh(
    core_axis_name="c", subcore_axis_name="s", num_cores=NC, num_subcores=NS
)


def _tc_copy_body(x_ref, o_ref):
    o_ref[...] = x_ref[...].reshape(8 * TBLK)


def _linearize(table_t):
    return pl.pallas_call(
        _tc_copy_body,
        grid=(D // 8, TNB),
        in_specs=[pl.BlockSpec((8, TBLK), lambda t, k: (t, k))],
        out_specs=pl.BlockSpec((8 * TBLK,), lambda t, k: (t * TNB + k,)),
        out_shape=jax.ShapeDtypeStruct((4 * TRSPAN,), jnp.float32),
    )(table_t)


@functools.partial(
    pl.kernel,
    out_type=[
        jax.ShapeDtypeStruct((B,), jnp.float32),
        jax.ShapeDtypeStruct((D, B), jnp.float32),
        jax.ShapeDtypeStruct((D, B), jnp.float32),
    ],
    mesh=_mesh,
    compiler_params=pltpu.CompilerParams(
        use_tc_tiling_on_sc=False, needs_layout_passes=False
    ),
    scratch_types=[
        pltpu.VMEM((HITEMS,), jnp.int32),
        pltpu.VMEM((HITEMS,), jnp.int32),
        pltpu.VMEM((HITEMS,), jnp.float32),
        pltpu.VMEM((HITEMS,), jnp.float32),
        pltpu.VMEM((HITEMS,), jnp.float32),
        pltpu.VMEM((HITEMS,), jnp.float32),
        pltpu.VMEM((HITEMS,), jnp.float32),
        pltpu.VMEM((NS, SIG), jnp.float32),
        pltpu.VMEM((SIG,), jnp.float32),
        pltpu.VMEM((D,), jnp.float32),
        pltpu.VMEM((L,), jnp.float32),
        pltpu.VMEM_SHARED((NS, HITEMS), jnp.float32),
        pltpu.SemaphoreType.DMA,
        pltpu.SemaphoreType.DMA,
    ],
)
def _fedrap_sc(idx_hbm, p1_hbm, c1_hbm, w_hbm, b_hbm,
               rating_hbm, outp_hbm, outc_hbm,
               idx_v, ti_v, pa_v, pb_v, ca_v, cb_v, t_v, red_v, sg_v, w_v, b_v,
               acc_sh, gsem, osem):
    c = lax.axis_index("c")
    s = lax.axis_index("s")
    jlo = s
    jhi = s + NS
    hbase = c * HITEMS

    pltpu.sync_copy(idx_hbm.at[pl.ds(hbase, HITEMS)], idx_v)
    pltpu.sync_copy(w_hbm, w_v)
    pltpu.sync_copy(b_hbm, b_v)

    roff = (s % 8) * TBLK

    def trans(g, carry):
        sl = pl.ds(g * L, L)
        iv = idx_v[sl]
        ti_v[sl] = (
            lax.shift_right_logical(iv, 11) * (8 * TBLK)
            + (iv & (TBLK - 1))
            + roff
        )
        return carry

    lax.fori_loop(0, HITEMS // L, trans, 0, unroll=False)

    trlo = s // 8
    srcs = (
        (p1_hbm.at[pl.ds(trlo * TRSPAN, TRSPAN)], pa_v),
        (p1_hbm.at[pl.ds((trlo + 2) * TRSPAN, TRSPAN)], pb_v),
        (c1_hbm.at[pl.ds(trlo * TRSPAN, TRSPAN)], ca_v),
        (c1_hbm.at[pl.ds((trlo + 2) * TRSPAN, TRSPAN)], cb_v),
    )

    def fire(ch, carry):
        isl = ti_v.at[pl.ds(ch * ICH, ICH)]
        dsl = pl.ds(ch * ICH, ICH)
        for src, dst in srcs:
            pltpu.async_copy(src.at[isl], dst.at[dsl], gsem)
        return carry

    def drain(ch, carry):
        isl = ti_v.at[pl.ds(ch * ICH, ICH)]
        dsl = pl.ds(ch * ICH, ICH)
        for src, dst in srcs:
            pltpu.make_async_copy(src.at[isl], dst.at[dsl], gsem).wait()
        return carry

    lax.fori_loop(0, NCHUNK, fire, 0, unroll=False)
    lax.fori_loop(0, NCHUNK, drain, 0, unroll=False)

    out_cps = [
        pltpu.async_copy(pa_v, outp_hbm.at[jlo, pl.ds(hbase, HITEMS)], osem),
        pltpu.async_copy(pb_v, outp_hbm.at[jhi, pl.ds(hbase, HITEMS)], osem),
        pltpu.async_copy(ca_v, outc_hbm.at[jlo, pl.ds(hbase, HITEMS)], osem),
        pltpu.async_copy(cb_v, outc_hbm.at[jhi, pl.ds(hbase, HITEMS)], osem),
    ]

    lane = lax.iota(jnp.int32, L)
    w_lo = w_v[pl.ds(0, L)]
    w_hi = w_v[pl.ds(L, L)]
    wa = jnp.sum(jnp.where(lane == s, w_lo, 0.0))
    wb = jnp.sum(jnp.where(lane == s, w_hi, 0.0))

    def part(g, carry):
        sl = pl.ds(g * L, L)
        t_v[sl] = (pa_v[sl] + ca_v[sl]) * wa + (pb_v[sl] + cb_v[sl]) * wb
        return carry

    lax.fori_loop(0, HITEMS // L, part, 0, unroll=False)

    pltpu.sync_copy(t_v, acc_sh.at[s])
    plsc.subcore_barrier()
    pltpu.sync_copy(acc_sh.at[:, pl.ds(s * SIG, SIG)], red_v)
    bias = b_v[...]

    def sig(g, carry):
        sl = pl.ds(g * L, L)
        acc = red_v[0, sl]
        for k in range(1, NS):
            acc = acc + red_v[k, sl]
        sg_v[sl] = 1.0 / (1.0 + jnp.exp(-(acc + bias)))
        return carry

    lax.fori_loop(0, SIG // L, sig, 0, unroll=False)
    pltpu.sync_copy(sg_v, rating_hbm.at[pl.ds(hbase + s * SIG, SIG)])

    for cp in out_cps:
        cp.wait()


def kernel(item_indices, personality, commonality, W, b):
    idx = item_indices.astype(jnp.int32)
    w_flat = W.reshape(D).astype(jnp.float32)
    b_splat = jnp.broadcast_to(b.astype(jnp.float32), (L,))
    p1 = _linearize(personality.T)
    c1 = _linearize(commonality.T)
    rating, item_pt, item_ct = _fedrap_sc(
        idx, p1, c1, w_flat, b_splat
    )
    return (rating.reshape(B, 1), item_pt.T, item_ct.T)

# --- scband reference (transcript-rebuilt; emitter-appended) ---
"""Pipeline reference for scband-fed-rap-26920855011974 (READ-ONLY COPY).

The authoritative reference and input builder live on the scoring server;
editing this copy changes nothing except your own understanding.
"""

import jax, jax.numpy as jnp
import numpy as np

NUM_ITEMS = 1000000
LATENT_DIM = 32
BATCH = 16384

def setup_inputs(seed: int = 0) -> dict:
    key = jax.random.key(seed)
    k1, k2, k3, k4, k5 = jax.random.split(key, 5)
    item_indices = jax.random.randint(k1, (BATCH,), 0, NUM_ITEMS, dtype=jnp.int64 if jax.config.jax_enable_x64 else jnp.int32)
    personality = jax.random.normal(k2, (NUM_ITEMS, LATENT_DIM), dtype=jnp.float32)
    commonality = jax.random.normal(k3, (NUM_ITEMS, LATENT_DIM), dtype=jnp.float32)
    W = jax.random.normal(k4, (LATENT_DIM, 1), dtype=jnp.float32) * (1.0 / np.sqrt(LATENT_DIM))
    b = jax.random.normal(k5, (1,), dtype=jnp.float32) * 0.01
    return {"item_indices": item_indices, "personality": personality, "commonality": commonality, "W": W, "b": b}

def reference(item_indices, personality, commonality, W, b):
    # item_personality = Embedding_P(item_indices)
    item_personality = jnp.take(personality, item_indices, axis=0)
    # item_commonality = Embedding_C(item_indices)
    item_commonality = jnp.take(commonality, item_indices, axis=0)
    # logits = Linear(item_personality + item_commonality)
    logits = (item_personality + item_commonality) @ W + b
    rating = jax.nn.sigmoid(logits)
    return (rating, item_personality, item_commonality)

if __name__ == "__main__":
    import jax
    _d = setup_inputs()
    print(jax.jit(kernel)(*tuple(_d.values())))

</pallas_src>

<mosaic_0001>
#map = affine_map<(d0, d1) -> (0)>
#map1 = affine_map<(d0, d1) -> (0, 0)>
module attributes {stable_mosaic.version = 14 : i64} {
  func.func @_fedrap_sc(%arg0: i32, %arg1: i32, %arg2: memref<16384xi32, #tpu.memory_space<hbm>>, %arg3: memref<32047104xf32, #tpu.memory_space<hbm>>, %arg4: memref<32047104xf32, #tpu.memory_space<hbm>>, %arg5: memref<32xf32, #tpu.memory_space<hbm>>, %arg6: memref<16xf32, #tpu.memory_space<hbm>>, %arg7: memref<16384xf32, #tpu.memory_space<hbm>>, %arg8: memref<32x16384xf32, #tpu.memory_space<hbm>>, %arg9: memref<32x16384xf32, #tpu.memory_space<hbm>>, %arg10: memref<8192xi32, #tpu.memory_space<vmem>>, %arg11: memref<8192xi32, #tpu.memory_space<vmem>>, %arg12: memref<8192xf32, #tpu.memory_space<vmem>>, %arg13: memref<8192xf32, #tpu.memory_space<vmem>>, %arg14: memref<8192xf32, #tpu.memory_space<vmem>>, %arg15: memref<8192xf32, #tpu.memory_space<vmem>>, %arg16: memref<8192xf32, #tpu.memory_space<vmem>>, %arg17: memref<16x512xf32, #tpu.memory_space<vmem>>, %arg18: memref<512xf32, #tpu.memory_space<vmem>>, %arg19: memref<32xf32, #tpu.memory_space<vmem>>, %arg20: memref<16xf32, #tpu.memory_space<vmem>>, %arg21: memref<16x8192xf32, #tpu.memory_space<vmem_shared>>, %arg22: memref<!tpu.dma_semaphore, #tpu.memory_space<semaphore_mem>>, %arg23: memref<!tpu.dma_semaphore, #tpu.memory_space<semaphore_mem>>) attributes {dimension_semantics = [#tpu.dimension_semantics<core_parallel>, #tpu.dimension_semantics<subcore_parallel>], iteration_bounds = array<i64: 2, 16>, scalar_prefetch = 0 : i64, scratch_operands = 14 : i64, tpu.core_type = #tpu.core_type<sc_vector_subcore>, window_params = [{transform_indices = #map}, {transform_indices = #map}, {transform_indices = #map}, {transform_indices = #map}, {transform_indices = #map}, {transform_indices = #map}, {transform_indices = #map1}, {transform_indices = #map1}]} {
    %add3A = arith.constant 16 : i32
    %add3A_0 = arith.addi %arg1, %add3A : i32
    %mul3A = arith.constant 8192 : i32
    %mul3A_1 = arith.muli %arg0, %mul3A : i32
    "tpu.region"() ({
      %run_scoped3A = tpu.sem_alloc : memref<!tpu.dma_semaphore, #tpu.memory_space<semaphore_mem>>
      %dma_start3A_131 = tpu.memref_slice %arg2[%mul3A_1] : memref<16384xi32, #tpu.memory_space<hbm>> -> memref<8192xi32, #tpu.memory_space<hbm>>
      %dma_start3A_132 = tpu.memref_slice %arg2[%mul3A_1] : memref<16384xi32, #tpu.memory_space<hbm>> -> memref<8192xi32, #tpu.memory_space<hbm>>
      tpu.enqueue_dma source(%dma_start3A_132 : memref<8192xi32, #tpu.memory_space<hbm>>) target(%arg10 : memref<8192xi32, #tpu.memory_space<vmem>>) target_semaphore(%run_scoped3A : memref<!tpu.dma_semaphore, #tpu.memory_space<semaphore_mem>>)
      %dma_wait3A_133 = tpu.memref_slice %arg2[%mul3A_1] : memref<16384xi32, #tpu.memory_space<hbm>> -> memref<8192xi32, #tpu.memory_space<hbm>>
      %dma_wait3A_134 = tpu.memref_slice %arg2[%mul3A_1] : memref<16384xi32, #tpu.memory_space<hbm>> -> memref<8192xi32, #tpu.memory_space<hbm>>
      tpu.wait_dma2 semaphore(%run_scoped3A : memref<!tpu.dma_semaphore, #tpu.memory_space<semaphore_mem>>) src(%dma_wait3A_134 : memref<8192xi32, #tpu.memory_space<hbm>>) dst(%arg10 : memref<8192xi32, #tpu.memory_space<vmem>>)
      tpu.yield
    }) : () -> ()
    "tpu.region"() ({
      %run_scoped3A = tpu.sem_alloc : memref<!tpu.dma_semaphore, #tpu.memory_space<semaphore_mem>>
      tpu.enqueue_dma source(%arg5 : memref<32xf32, #tpu.memory_space<hbm>>) target(%arg19 : memref<32xf32, #tpu.memory_space<vmem>>) target_semaphore(%run_scoped3A : memref<!tpu.dma_semaphore, #tpu.memory_space<semaphore_mem>>)
      tpu.wait_dma2 semaphore(%run_scoped3A : memref<!tpu.dma_semaphore, #tpu.memory_space<semaphore_mem>>) src(%arg5 : memref<32xf32, #tpu.memory_space<hbm>>) dst(%arg19 : memref<32xf32, #tpu.memory_space<vmem>>)
      tpu.yield
    }) : () -> ()
    "tpu.region"() ({
      %run_scoped3A = tpu.sem_alloc : memref<!tpu.dma_semaphore, #tpu.memory_space<semaphore_mem>>
      tpu.enqueue_dma source(%arg6 : memref<16xf32, #tpu.memory_space<hbm>>) target(%arg20 : memref<16xf32, #tpu.memory_space<vmem>>) target_semaphore(%run_scoped3A : memref<!tpu.dma_semaphore, #tpu.memory_space<semaphore_mem>>)
      tpu.wait_dma2 semaphore(%run_scoped3A : memref<!tpu.dma_semaphore, #tpu.memory_space<semaphore_mem>>) src(%arg6 : memref<16xf32, #tpu.memory_space<hbm>>) dst(%arg20 : memref<16xf32, #tpu.memory_space<vmem>>)
      tpu.yield
    }) : () -> ()
    %jit3A = arith.constant 8 : i32
    %eq3A = arith.constant 0 : i32
    %eq3A_2 = arith.cmpi eq, %jit3A, %eq3A : i32
    %jit3A_3 = arith.constant 1 : i32
    %select_n3A = arith.select %eq3A_2, %jit3A_3, %jit3A : i32
    %rem3A = arith.remsi %arg1, %select_n3A : i32
    %ne3A = arith.constant 0 : i32
    %ne3A_4 = arith.cmpi ne, %rem3A, %ne3A : i32
    %lt3A = arith.constant 0 : i32
    %lt3A_5 = arith.cmpi slt, %rem3A, %lt3A : i32
    %lt3A_6 = arith.constant 0 : i32
    %lt3A_7 = arith.cmpi slt, %select_n3A, %lt3A_6 : i32
    %ne3A_8 = arith.xori %lt3A_5, %lt3A_7 : i1
    %and3A = arith.andi %ne3A_8, %ne3A_4 : i1
    %add3A_9 = arith.addi %rem3A, %select_n3A : i32
    %select_n3A_10 = arith.select %and3A, %add3A_9, %rem3A : i32
    %mul3A_11 = arith.constant 2048 : i32
    %mul3A_12 = arith.muli %select_n3A_10, %mul3A_11 : i32
    %scan3A = arith.constant 0 : i32
    %scan3A_13 = arith.constant 0 : i32
    %scan3A_14 = arith.constant 512 : i32
    %scan3A_15 = arith.addi %scan3A_13, %scan3A_14 : i32
    %scan3A_16 = arith.constant 1 : i32
    scf.for %scan3A_131 = %scan3A_13 to %scan3A_15 step %scan3A_16  : i32 {
      %mul3A_132 = arith.constant 16 : i32
      %mul3A_133 = arith.muli %scan3A_131, %mul3A_132 : i32
      %get3A_134 = arith.index_cast %mul3A_133 : i32 to index
      %get3A_135 = tpu.vector_load %arg10[%get3A_134] {strides = array<i32>} : memref<8192xi32, #tpu.memory_space<vmem>>, vector<16xi32>,
      %shift_right_logical3A = arith.constant 11 : i32
      %shift_right_logical3A_136 = vector.broadcast %shift_right_logical3A : i32 to vector<16xi32>
      %shift_right_logical3A_137 = arith.shrui %get3A_135, %shift_right_logical3A_136 : vector<16xi32>
      %mul3A_138 = arith.constant 16384 : i32
      %mul3A_139 = vector.broadcast %mul3A_138 : i32 to vector<16xi32>
      %mul3A_140 = arith.muli %shift_right_logical3A_137, %mul3A_139 : vector<16xi32>
      %and3A_141 = arith.constant 2047 : i32
      %and3A_142 = vector.broadcast %and3A_141 : i32 to vector<16xi32>
      %and3A_143 = arith.andi %get3A_135, %and3A_142 : vector<16xi32>
      %add3A_144 = arith.addi %mul3A_140, %and3A_143 : vector<16xi32>
      %add3A_145 = vector.broadcast %mul3A_12 : i32 to vector<16xi32>
      %add3A_146 = arith.addi %add3A_144, %add3A_145 : vector<16xi32>
      %swap3A = arith.index_cast %mul3A_133 : i32 to index
      %swap3A_147 = tpu.vector_load %arg11[%swap3A] {strides = array<i32>} : memref<8192xi32, #tpu.memory_space<vmem>>, vector<16xi32>,
      tpu.vector_store %arg11[%swap3A], %add3A_146 {strides = array<i32>} : memref<8192xi32, #tpu.memory_space<vmem>>, vector<16xi32>,
    }
    %scan3A_17 = arith.constant 512 : i32
    %jit3A_18 = arith.constant 8 : i32
    %div3A = arith.divsi %arg1, %jit3A_18 : i32
    %sign3A = arith.constant 0 : i32
    %sign3A_19 = arith.cmpi sgt, %arg1, %sign3A : i32
    %sign3A_20 = arith.extui %sign3A_19 : i1 to i32
    %sign3A_21 = arith.constant 0 : i32
    %sign3A_22 = arith.cmpi slt, %arg1, %sign3A_21 : i32
    %sign3A_23 = arith.extui %sign3A_22 : i1 to i32
    %sign3A_24 = arith.subi %sign3A_20, %sign3A_23 : i32
    %sign3A_25 = arith.constant 0 : i32
    %sign3A_26 = arith.cmpi sgt, %jit3A_18, %sign3A_25 : i32
    %sign3A_27 = arith.extui %sign3A_26 : i1 to i32
    %sign3A_28 = arith.constant 0 : i32
    %sign3A_29 = arith.cmpi slt, %jit3A_18, %sign3A_28 : i32
    %sign3A_30 = arith.extui %sign3A_29 : i1 to i32
    %sign3A_31 = arith.subi %sign3A_27, %sign3A_30 : i32
    %ne3A_32 = arith.cmpi ne, %sign3A_24, %sign3A_31 : i32
    %rem3A_33 = arith.remsi %arg1, %jit3A_18 : i32
    %ne3A_34 = arith.constant 0 : i32
    %ne3A_35 = arith.cmpi ne, %rem3A_33, %ne3A_34 : i32
    %and3A_36 = arith.andi %ne3A_32, %ne3A_35 : i1
    %sub3A = arith.constant 1 : i32
    %sub3A_37 = arith.subi %div3A, %sub3A : i32
    %select_n3A_38 = arith.select %and3A_36, %sub3A_37, %div3A : i32
    %mul3A_39 = arith.constant 8011776 : i32
    %mul3A_40 = arith.muli %select_n3A_38, %mul3A_39 : i32
    %add3A_41 = arith.constant 2 : i32
    %add3A_42 = arith.addi %select_n3A_38, %add3A_41 : i32
    %mul3A_43 = arith.constant 8011776 : i32
    %mul3A_44 = arith.muli %add3A_42, %mul3A_43 : i32
    %mul3A_45 = arith.constant 8011776 : i32
    %mul3A_46 = arith.muli %select_n3A_38, %mul3A_45 : i32
    %add3A_47 = arith.constant 2 : i32
    %add3A_48 = arith.addi %select_n3A_38, %add3A_47 : i32
    %mul3A_49 = arith.constant 8011776 : i32
    %mul3A_50 = arith.muli %add3A_48, %mul3A_49 : i32
    %scan3A_51 = arith.constant 0 : i32
    %scan3A_52 = arith.constant 0 : i32
    %scan3A_53 = arith.constant 64 : i32
    %scan3A_54 = arith.addi %scan3A_52, %scan3A_53 : i32
    %scan3A_55 = arith.constant 1 : i32
    scf.for %scan3A_131 = %scan3A_52 to %scan3A_54 step %scan3A_55  : i32 {
      %mul3A_132 = arith.constant 128 : i32
      %mul3A_133 = arith.muli %scan3A_131, %mul3A_132 : i32
      %mul3A_134 = arith.constant 128 : i32
      %mul3A_135 = arith.muli %scan3A_131, %mul3A_134 : i32
      %dma_start3A_136 = tpu.memref_slice %arg12[%mul3A_135] : memref<8192xf32, #tpu.memory_space<vmem>> -> memref<128xf32, #tpu.memory_space<vmem>>
      %dma_start3A_137 = tpu.memref_slice %arg11[%mul3A_133] : memref<8192xi32, #tpu.memory_space<vmem>> -> memref<128xi32, #tpu.memory_space<vmem>>
      %dma_start3A_138 = tpu.memref_slice %arg3[%mul3A_40] : memref<32047104xf32, #tpu.memory_space<hbm>> -> memref<8011776xf32, #tpu.memory_space<hbm>>
      %dma_start3A_139 = arith.constant 0 : i32
      %dma_start3A_140 = tpu.memref_slice %dma_start3A_138[%dma_start3A_139] : memref<8011776xf32, #tpu.memory_space<hbm>> -> memref<8011776xf32, #tpu.memory_space<hbm>>
      tpu.enqueue_indirect_dma source(%dma_start3A_140 : memref<8011776xf32, #tpu.memory_space<hbm>>) target(%dma_start3A_136 : memref<128xf32, #tpu.memory_space<vmem>>) offsets(%dma_start3A_137 : memref<128xi32, #tpu.memory_space<vmem>>) semaphore(%arg22 : memref<!tpu.dma_semaphore, #tpu.memory_space<semaphore_mem>>)
      %dma_start3A_141 = tpu.memref_slice %arg13[%mul3A_135] : memref<8192xf32, #tpu.memory_space<vmem>> -> memref<128xf32, #tpu.memory_space<vmem>>
      %dma_start3A_142 = tpu.memref_slice %arg11[%mul3A_133] : memref<8192xi32, #tpu.memory_space<vmem>> -> memref<128xi32, #tpu.memory_space<vmem>>
      %dma_start3A_143 = tpu.memref_slice %arg3[%mul3A_44] : memref<32047104xf32, #tpu.memory_space<hbm>> -> memref<8011776xf32, #tpu.memory_space<hbm>>
      %dma_start3A_144 = arith.constant 0 : i32
      %dma_start3A_145 = tpu.memref_slice %dma_start3A_143[%dma_start3A_144] : memref<8011776xf32, #tpu.memory_space<hbm>> -> memref<8011776xf32, #tpu.memory_space<hbm>>
      tpu.enqueue_indirect_dma source(%dma_start3A_145 : memref<8011776xf32, #tpu.memory_space<hbm>>) target(%dma_start3A_141 : memref<128xf32, #tpu.memory_space<vmem>>) offsets(%dma_start3A_142 : memref<128xi32, #tpu.memory_space<vmem>>) semaphore(%arg22 : memref<!tpu.dma_semaphore, #tpu.memory_space<semaphore_mem>>)
      %dma_start3A_146 = tpu.memref_slice %arg14[%mul3A_135] : memref<8192xf32, #tpu.memory_space<vmem>> -> memref<128xf32, #tpu.memory_space<vmem>>
      %dma_start3A_147 = tpu.memref_slice %arg11[%mul3A_133] : memref<8192xi32, #tpu.memory_space<vmem>> -> memref<128xi32, #tpu.memory_space<vmem>>
      %dma_start3A_148 = tpu.memref_slice %arg4[%mul3A_46] : memref<32047104xf32, #tpu.memory_space<hbm>> -> memref<8011776xf32, #tpu.memory_space<hbm>>
      %dma_start3A_149 = arith.constant 0 : i32
      %dma_start3A_150 = tpu.memref_slice %dma_start3A_148[%dma_start3A_149] : memref<8011776xf32, #tpu.memory_space<hbm>> -> memref<8011776xf32, #tpu.memory_space<hbm>>
      tpu.enqueue_indirect_dma source(%dma_start3A_150 : memref<8011776xf32, #tpu.memory_space<hbm>>) target(%dma_start3A_146 : memref<128xf32, #tpu.memory_space<vmem>>) offsets(%dma_start3A_147 : memref<128xi32, #tpu.memory_space<vmem>>) semaphore(%arg22 : memref<!tpu.dma_semaphore, #tpu.memory_space<semaphore_mem>>)
      %dma_start3A_151 = tpu.memref_slice %arg15[%mul3A_135] : memref<8192xf32, #tpu.memory_space<vmem>> -> memref<128xf32, #tpu.memory_space<vmem>>
      %dma_start3A_152 = tpu.memref_slice %arg11[%mul3A_133] : memref<8192xi32, #tpu.memory_space<vmem>> -> memref<128xi32, #tpu.memory_space<vmem>>
      %dma_start3A_153 = tpu.memref_slice %arg4[%mul3A_50] : memref<32047104xf32, #tpu.memory_space<hbm>> -> memref<8011776xf32, #tpu.memory_space<hbm>>
      %dma_start3A_154 = arith.constant 0 : i32
      %dma_start3A_155 = tpu.memref_slice %dma_start3A_153[%dma_start3A_154] : memref<8011776xf32, #tpu.memory_space<hbm>> -> memref<8011776xf32, #tpu.memory_space<hbm>>
      tpu.enqueue_indirect_dma source(%dma_start3A_155 : memref<8011776xf32, #tpu.memory_space<hbm>>) target(%dma_start3A_151 : memref<128xf32, #tpu.memory_space<vmem>>) offsets(%dma_start3A_152 : memref<128xi32, #tpu.memory_space<vmem>>) semaphore(%arg22 : memref<!tpu.dma_semaphore, #tpu.memory_space<semaphore_mem>>)
    }
    %scan3A_56 = arith.constant 64 : i32
    %scan3A_57 = arith.constant 0 : i32
    %scan3A_58 = arith.constant 0 : i32
    %scan3A_59 = arith.constant 64 : i32
    %scan3A_60 = arith.addi %scan3A_58, %scan3A_59 : i32
    %scan3A_61 = arith.constant 1 : i32
    scf.for %scan3A_131 = %scan3A_58 to %scan3A_60 step %scan3A_61  : i32 {
      %mul3A_132 = arith.constant 128 : i32
      %mul3A_133 = arith.muli %scan3A_131, %mul3A_132 : i32
      %mul3A_134 = arith.constant 128 : i32
      %mul3A_135 = arith.muli %scan3A_131, %mul3A_134 : i32
      %dma_wait3A_136 = tpu.memref_slice %arg12[%mul3A_135] : memref<8192xf32, #tpu.memory_space<vmem>> -> memref<128xf32, #tpu.memory_space<vmem>>
      %dma_wait3A_137 = tpu.memref_slice %arg11[%mul3A_133] : memref<8192xi32, #tpu.memory_space<vmem>> -> memref<128xi32, #tpu.memory_space<vmem>>
      %dma_wait3A_138 = tpu.memref_slice %arg3[%mul3A_40] : memref<32047104xf32, #tpu.memory_space<hbm>> -> memref<8011776xf32, #tpu.memory_space<hbm>>
      %dma_wait3A_139 = arith.constant 0 : i32
      %dma_wait3A_140 = tpu.memref_slice %dma_wait3A_138[%dma_wait3A_139] : memref<8011776xf32, #tpu.memory_space<hbm>> -> memref<8011776xf32, #tpu.memory_space<hbm>>
      tpu.wait_indirect_dma semaphore(%arg22 : memref<!tpu.dma_semaphore, #tpu.memory_space<semaphore_mem>>) src(%dma_wait3A_140 : memref<8011776xf32, #tpu.memory_space<hbm>>) dst(%dma_wait3A_136 : memref<128xf32, #tpu.memory_space<vmem>>)
      %dma_wait3A_141 = tpu.memref_slice %arg13[%mul3A_135] : memref<8192xf32, #tpu.memory_space<vmem>> -> memref<128xf32, #tpu.memory_space<vmem>>
      %dma_wait3A_142 = tpu.memref_slice %arg11[%mul3A_133] : memref<8192xi32, #tpu.memory_space<vmem>> -> memref<128xi32, #tpu.memory_space<vmem>>
      %dma_wait3A_143 = tpu.memref_slice %arg3[%mul3A_44] : memref<32047104xf32, #tpu.memory_space<hbm>> -> memref<8011776xf32, #tpu.memory_space<hbm>>
      %dma_wait3A_144 = arith.constant 0 : i32
      %dma_wait3A_145 = tpu.memref_slice %dma_wait3A_143[%dma_wait3A_144] : memref<8011776xf32, #tpu.memory_space<hbm>> -> memref<8011776xf32, #tpu.memory_space<hbm>>
      tpu.wait_indirect_dma semaphore(%arg22 : memref<!tpu.dma_semaphore, #tpu.memory_space<semaphore_mem>>) src(%dma_wait3A_145 : memref<8011776xf32, #tpu.memory_space<hbm>>) dst(%dma_wait3A_141 : memref<128xf32, #tpu.memory_space<vmem>>)
      %dma_wait3A_146 = tpu.memref_slice %arg14[%mul3A_135] : memref<8192xf32, #tpu.memory_space<vmem>> -> memref<128xf32, #tpu.memory_space<vmem>>
      %dma_wait3A_147 = tpu.memref_slice %arg11[%mul3A_133] : memref<8192xi32, #tpu.memory_space<vmem>> -> memref<128xi32, #tpu.memory_space<vmem>>
      %dma_wait3A_148 = tpu.memref_slice %arg4[%mul3A_46] : memref<32047104xf32, #tpu.memory_space<hbm>> -> memref<8011776xf32, #tpu.memory_space<hbm>>
      %dma_wait3A_149 = arith.constant 0 : i32
      %dma_wait3A_150 = tpu.memref_slice %dma_wait3A_148[%dma_wait3A_149] : memref<8011776xf32, #tpu.memory_space<hbm>> -> memref<8011776xf32, #tpu.memory_space<hbm>>
      tpu.wait_indirect_dma semaphore(%arg22 : memref<!tpu.dma_semaphore, #tpu.memory_space<semaphore_mem>>) src(%dma_wait3A_150 : memref<8011776xf32, #tpu.memory_space<hbm>>) dst(%dma_wait3A_146 : memref<128xf32, #tpu.memory_space<vmem>>)
      %dma_wait3A_151 = tpu.memref_slice %arg15[%mul3A_135] : memref<8192xf32, #tpu.memory_space<vmem>> -> memref<128xf32, #tpu.memory_space<vmem>>
      %dma_wait3A_152 = tpu.memref_slice %arg11[%mul3A_133] : memref<8192xi32, #tpu.memory_space<vmem>> -> memref<128xi32, #tpu.memory_space<vmem>>
      %dma_wait3A_153 = tpu.memref_slice %arg4[%mul3A_50] : memref<32047104xf32, #tpu.memory_space<hbm>> -> memref<8011776xf32, #tpu.memory_space<hbm>>
      %dma_wait3A_154 = arith.constant 0 : i32
      %dma_wait3A_155 = tpu.memref_slice %dma_wait3A_153[%dma_wait3A_154] : memref<8011776xf32, #tpu.memory_space<hbm>> -> memref<8011776xf32, #tpu.memory_space<hbm>>
      tpu.wait_indirect_dma semaphore(%arg22 : memref<!tpu.dma_semaphore, #tpu.memory_space<semaphore_mem>>) src(%dma_wait3A_155 : memref<8011776xf32, #tpu.memory_space<hbm>>) dst(%dma_wait3A_151 : memref<128xf32, #tpu.memory_space<vmem>>)
    }
    %scan3A_62 = arith.constant 64 : i32
    %dma_start3A = tpu.memref_slice %arg8[%arg1, %mul3A_1] : memref<32x16384xf32, #tpu.memory_space<hbm>> -> memref<1x8192xf32, #tpu.memory_space<hbm>>
    %dma_start3A_63 = tpu.memref_squeeze %dma_start3A : memref<1x8192xf32, #tpu.memory_space<hbm>> -> memref<8192xf32, #tpu.memory_space<hbm>>
    %dma_start3A_64 = tpu.memref_slice %arg8[%arg1, %mul3A_1] : memref<32x16384xf32, #tpu.memory_space<hbm>> -> memref<1x8192xf32, #tpu.memory_space<hbm>>
    %dma_start3A_65 = tpu.memref_squeeze %dma_start3A_64 : memref<1x8192xf32, #tpu.memory_space<hbm>> -> memref<8192xf32, #tpu.memory_space<hbm>>
    tpu.enqueue_dma source(%arg12 : memref<8192xf32, #tpu.memory_space<vmem>>) target(%dma_start3A_65 : memref<8192xf32, #tpu.memory_space<hbm>>) target_semaphore(%arg23 : memref<!tpu.dma_semaphore, #tpu.memory_space<semaphore_mem>>)
    %dma_start3A_66 = tpu.memref_slice %arg8[%add3A_0, %mul3A_1] : memref<32x16384xf32, #tpu.memory_space<hbm>> -> memref<1x8192xf32, #tpu.memory_space<hbm>>
    %dma_start3A_67 = tpu.memref_squeeze %dma_start3A_66 : memref<1x8192xf32, #tpu.memory_space<hbm>> -> memref<8192xf32, #tpu.memory_space<hbm>>
    %dma_start3A_68 = tpu.memref_slice %arg8[%add3A_0, %mul3A_1] : memref<32x16384xf32, #tpu.memory_space<hbm>> -> memref<1x8192xf32, #tpu.memory_space<hbm>>
    %dma_start3A_69 = tpu.memref_squeeze %dma_start3A_68 : memref<1x8192xf32, #tpu.memory_space<hbm>> -> memref<8192xf32, #tpu.memory_space<hbm>>
    tpu.enqueue_dma source(%arg13 : memref<8192xf32, #tpu.memory_space<vmem>>) target(%dma_start3A_69 : memref<8192xf32, #tpu.memory_space<hbm>>) target_semaphore(%arg23 : memref<!tpu.dma_semaphore, #tpu.memory_space<semaphore_mem>>)
    %dma_start3A_70 = tpu.memref_slice %arg9[%arg1, %mul3A_1] : memref<32x16384xf32, #tpu.memory_space<hbm>> -> memref<1x8192xf32, #tpu.memory_space<hbm>>
    %dma_start3A_71 = tpu.memref_squeeze %dma_start3A_70 : memref<1x8192xf32, #tpu.memory_space<hbm>> -> memref<8192xf32, #tpu.memory_space<hbm>>
    %dma_start3A_72 = tpu.memref_slice %arg9[%arg1, %mul3A_1] : memref<32x16384xf32, #tpu.memory_space<hbm>> -> memref<1x8192xf32, #tpu.memory_space<hbm>>
    %dma_start3A_73 = tpu.memref_squeeze %dma_start3A_72 : memref<1x8192xf32, #tpu.memory_space<hbm>> -> memref<8192xf32, #tpu.memory_space<hbm>>
    tpu.enqueue_dma source(%arg14 : memref<8192xf32, #tpu.memory_space<vmem>>) target(%dma_start3A_73 : memref<8192xf32, #tpu.memory_space<hbm>>) target_semaphore(%arg23 : memref<!tpu.dma_semaphore, #tpu.memory_space<semaphore_mem>>)
    %dma_start3A_74 = tpu.memref_slice %arg9[%add3A_0, %mul3A_1] : memref<32x16384xf32, #tpu.memory_space<hbm>> -> memref<1x8192xf32, #tpu.memory_space<hbm>>
    %dma_start3A_75 = tpu.memref_squeeze %dma_start3A_74 : memref<1x8192xf32, #tpu.memory_space<hbm>> -> memref<8192xf32, #tpu.memory_space<hbm>>
    %dma_start3A_76 = tpu.memref_slice %arg9[%add3A_0, %mul3A_1] : memref<32x16384xf32, #tpu.memory_space<hbm>> -> memref<1x8192xf32, #tpu.memory_space<hbm>>
    %dma_start3A_77 = tpu.memref_squeeze %dma_start3A_76 : memref<1x8192xf32, #tpu.memory_space<hbm>> -> memref<8192xf32, #tpu.memory_space<hbm>>
    tpu.enqueue_dma source(%arg15 : memref<8192xf32, #tpu.memory_space<vmem>>) target(%dma_start3A_77 : memref<8192xf32, #tpu.memory_space<hbm>>) target_semaphore(%arg23 : memref<!tpu.dma_semaphore, #tpu.memory_space<semaphore_mem>>)
    %iota3A = tpu.iota {dimensions = array<i32: 0>} : vector<16xi32>
    %get3A = arith.constant 0 : index
    %get3A_78 = tpu.vector_load %arg19[%get3A] {strides = array<i32>} : memref<32xf32, #tpu.memory_space<vmem>>, vector<16xf32>,
    %get3A_79 = arith.constant 16 : index
    %get3A_80 = tpu.vector_load %arg19[%get3A_79] {strides = array<i32>} : memref<32xf32, #tpu.memory_space<vmem>>, vector<16xf32>,
    %eq3A_81 = vector.broadcast %arg1 : i32 to vector<16xi32>
    %eq3A_82 = arith.cmpi eq, %iota3A, %eq3A_81 : vector<16xi32>
    %jit3A_83 = arith.constant 0.000000e+00 : f32
    %broadcast_in_dim3A = vector.broadcast %jit3A_83 : f32 to vector<16xf32>
    %select_n3A_84 = arith.select %eq3A_82, %get3A_78, %broadcast_in_dim3A : vector<16xi1>, vector<16xf32>
    %reduce_sum3A = arith.constant true
    %reduce_sum3A_85 = vector.broadcast %reduce_sum3A : i1 to vector<16xi1>
    %reduce_sum3A_86 = tpu.scan <sum>, %select_n3A_84 masked %reduce_sum3A_85 : vector<16xf32>, vector<16xi1> -> vector<16xf32>
    %reduce_sum3A_87 = vector.extract %reduce_sum3A_86[15] : f32 from vector<16xf32>
    %eq3A_88 = vector.broadcast %arg1 : i32 to vector<16xi32>
    %eq3A_89 = arith.cmpi eq, %iota3A, %eq3A_88 : vector<16xi32>
    %jit3A_90 = arith.constant 0.000000e+00 : f32
    %broadcast_in_dim3A_91 = vector.broadcast %jit3A_90 : f32 to vector<16xf32>
    %select_n3A_92 = arith.select %eq3A_89, %get3A_80, %broadcast_in_dim3A_91 : vector<16xi1>, vector<16xf32>
    %reduce_sum3A_93 = arith.constant true
    %reduce_sum3A_94 = vector.broadcast %reduce_sum3A_93 : i1 to vector<16xi1>
    %reduce_sum3A_95 = tpu.scan <sum>, %select_n3A_92 masked %reduce_sum3A_94 : vector<16xf32>, vector<16xi1> -> vector<16xf32>
    %reduce_sum3A_96 = vector.extract %reduce_sum3A_95[15] : f32 from vector<16xf32>
    %scan3A_97 = arith.constant 0 : i32
    %scan3A_98 = arith.constant 0 : i32
    %scan3A_99 = arith.constant 512 : i32
    %scan3A_100 = arith.addi %scan3A_98, %scan3A_99 : i32
    %scan3A_101 = arith.constant 1 : i32
    scf.for %scan3A_131 = %scan3A_98 to %scan3A_100 step %scan3A_101  : i32 {
      %mul3A_132 = arith.constant 16 : i32
      %mul3A_133 = arith.muli %scan3A_131, %mul3A_132 : i32
      %get3A_134 = arith.index_cast %mul3A_133 : i32 to index
      %get3A_135 = tpu.vector_load %arg12[%get3A_134] {strides = array<i32>} : memref<8192xf32, #tpu.memory_space<vmem>>, vector<16xf32>,
      %get3A_136 = arith.index_cast %mul3A_133 : i32 to index
      %get3A_137 = tpu.vector_load %arg14[%get3A_136] {strides = array<i32>} : memref<8192xf32, #tpu.memory_space<vmem>>, vector<16xf32>,
      %add3A_138 = arith.addf %get3A_135, %get3A_137 : vector<16xf32>
      %mul3A_139 = vector.broadcast %reduce_sum3A_87 : f32 to vector<16xf32>
      %mul3A_140 = arith.mulf %add3A_138, %mul3A_139 : vector<16xf32>
      %get3A_141 = arith.index_cast %mul3A_133 : i32 to index
      %get3A_142 = tpu.vector_load %arg13[%get3A_141] {strides = array<i32>} : memref<8192xf32, #tpu.memory_space<vmem>>, vector<16xf32>,
      %get3A_143 = arith.index_cast %mul3A_133 : i32 to index
      %get3A_144 = tpu.vector_load %arg15[%get3A_143] {strides = array<i32>} : memref<8192xf32, #tpu.memory_space<vmem>>, vector<16xf32>,
      %add3A_145 = arith.addf %get3A_142, %get3A_144 : vector<16xf32>
      %mul3A_146 = vector.broadcast %reduce_sum3A_96 : f32 to vector<16xf32>
      %mul3A_147 = arith.mulf %add3A_145, %mul3A_146 : vector<16xf32>
      %add3A_148 = arith.addf %mul3A_140, %mul3A_147 : vector<16xf32>
      %swap3A = arith.index_cast %mul3A_133 : i32 to index
      %swap3A_149 = tpu.vector_load %arg16[%swap3A] {strides = array<i32>} : memref<8192xf32, #tpu.memory_space<vmem>>, vector<16xf32>,
      tpu.vector_store %arg16[%swap3A], %add3A_148 {strides = array<i32>} : memref<8192xf32, #tpu.memory_space<vmem>>, vector<16xf32>,
    }
    %scan3A_102 = arith.constant 512 : i32
    "tpu.region"() ({
      %run_scoped3A = tpu.sem_alloc : memref<!tpu.dma_semaphore, #tpu.memory_space<semaphore_mem>>
      %dma_start3A_131 = arith.constant 0 : i32
      %dma_start3A_132 = tpu.memref_slice %arg21[%arg1, %dma_start3A_131] : memref<16x8192xf32, #tpu.memory_space<vmem_shared>> -> memref<1x8192xf32, #tpu.memory_space<vmem_shared>>
      %dma_start3A_133 = tpu.memref_squeeze %dma_start3A_132 : memref<1x8192xf32, #tpu.memory_space<vmem_shared>> -> memref<8192xf32, #tpu.memory_space<vmem_shared>>
      %dma_start3A_134 = arith.constant 0 : i32
      %dma_start3A_135 = tpu.memref_slice %arg21[%arg1, %dma_start3A_134] : memref<16x8192xf32, #tpu.memory_space<vmem_shared>> -> memref<1x8192xf32, #tpu.memory_space<vmem_shared>>
      %dma_start3A_136 = tpu.memref_squeeze %dma_start3A_135 : memref<1x8192xf32, #tpu.memory_space<vmem_shared>> -> memref<8192xf32, #tpu.memory_space<vmem_shared>>
      tpu.enqueue_dma source(%arg16 : memref<8192xf32, #tpu.memory_space<vmem>>) target(%dma_start3A_136 : memref<8192xf32, #tpu.memory_space<vmem_shared>>) target_semaphore(%run_scoped3A : memref<!tpu.dma_semaphore, #tpu.memory_space<semaphore_mem>>)
      %dma_wait3A_137 = arith.constant 0 : i32
      %dma_wait3A_138 = tpu.memref_slice %arg21[%arg1, %dma_wait3A_137] : memref<16x8192xf32, #tpu.memory_space<vmem_shared>> -> memref<1x8192xf32, #tpu.memory_space<vmem_shared>>
      %dma_wait3A_139 = tpu.memref_squeeze %dma_wait3A_138 : memref<1x8192xf32, #tpu.memory_space<vmem_shared>> -> memref<8192xf32, #tpu.memory_space<vmem_shared>>
      %dma_wait3A_140 = arith.constant 0 : i32
      %dma_wait3A_141 = tpu.memref_slice %arg21[%arg1, %dma_wait3A_140] : memref<16x8192xf32, #tpu.memory_space<vmem_shared>> -> memref<1x8192xf32, #tpu.memory_space<vmem_shared>>
      %dma_wait3A_142 = tpu.memref_squeeze %dma_wait3A_141 : memref<1x8192xf32, #tpu.memory_space<vmem_shared>> -> memref<8192xf32, #tpu.memory_space<vmem_shared>>
      tpu.wait_dma2 semaphore(%run_scoped3A : memref<!tpu.dma_semaphore, #tpu.memory_space<semaphore_mem>>) src(%arg16 : memref<8192xf32, #tpu.memory_space<vmem>>) dst(%dma_wait3A_142 : memref<8192xf32, #tpu.memory_space<vmem_shared>>)
      tpu.yield
    }) : () -> ()
    %barrier3A = arith.constant 0 : index
    tpu.barrier barrier_id(%barrier3A)
    %mul3A_103 = arith.constant 512 : i32
    %mul3A_104 = arith.muli %arg1, %mul3A_103 : i32
    "tpu.region"() ({
      %run_scoped3A = tpu.sem_alloc : memref<!tpu.dma_semaphore, #tpu.memory_space<semaphore_mem>>
      %dma_start3A_131 = arith.constant 0 : i32
      %dma_start3A_132 = tpu.memref_slice %arg21[%dma_start3A_131, %mul3A_104] : memref<16x8192xf32, #tpu.memory_space<vmem_shared>> -> memref<16x512xf32, #tpu.memory_space<vmem_shared>>
      %dma_start3A_133 = arith.constant 0 : i32
      %dma_start3A_134 = tpu.memref_slice %arg21[%dma_start3A_133, %mul3A_104] : memref<16x8192xf32, #tpu.memory_space<vmem_shared>> -> memref<16x512xf32, #tpu.memory_space<vmem_shared>>
      tpu.enqueue_dma source(%dma_start3A_134 : memref<16x512xf32, #tpu.memory_space<vmem_shared>>) target(%arg17 : memref<16x512xf32, #tpu.memory_space<vmem>>) target_semaphore(%run_scoped3A : memref<!tpu.dma_semaphore, #tpu.memory_space<semaphore_mem>>)
      %dma_wait3A_135 = arith.constant 0 : i32
      %dma_wait3A_136 = tpu.memref_slice %arg21[%dma_wait3A_135, %mul3A_104] : memref<16x8192xf32, #tpu.memory_space<vmem_shared>> -> memref<16x512xf32, #tpu.memory_space<vmem_shared>>
      %dma_wait3A_137 = arith.constant 0 : i32
      %dma_wait3A_138 = tpu.memref_slice %arg21[%dma_wait3A_137, %mul3A_104] : memref<16x8192xf32, #tpu.memory_space<vmem_shared>> -> memref<16x512xf32, #tpu.memory_space<vmem_shared>>
      tpu.wait_dma2 semaphore(%run_scoped3A : memref<!tpu.dma_semaphore, #tpu.memory_space<semaphore_mem>>) src(%dma_wait3A_138 : memref<16x512xf32, #tpu.memory_space<vmem_shared>>) dst(%arg17 : memref<16x512xf32, #tpu.memory_space<vmem>>)
      tpu.yield
    }) : () -> ()
    %get3A_105 = arith.constant 0 : index
    %get3A_106 = tpu.vector_load %arg20[%get3A_105] {strides = array<i32>} : memref<16xf32, #tpu.memory_space<vmem>>, vector<16xf32>,
    %scan3A_107 = arith.constant 0 : i32
    %scan3A_108 = arith.constant 0 : i32
    %scan3A_109 = arith.constant 32 : i32
    %scan3A_110 = arith.addi %scan3A_108, %scan3A_109 : i32
    %scan3A_111 = arith.constant 1 : i32
    scf.for %scan3A_131 = %scan3A_108 to %scan3A_110 step %scan3A_111  : i32 {
      %mul3A_132 = arith.constant 16 : i32
      %mul3A_133 = arith.muli %scan3A_131, %mul3A_132 : i32
      %get3A_134 = arith.constant 0 : i32
      %get3A_135 = arith.index_cast %get3A_134 : i32 to index
      %get3A_136 = arith.index_cast %mul3A_133 : i32 to index
      %get3A_137 = tpu.vector_load %arg17[%get3A_135, %get3A_136] {strides = array<i32>} : memref<16x512xf32, #tpu.memory_space<vmem>>, vector<16xf32>,
      %get3A_138 = arith.constant 1 : i32
      %get3A_139 = arith.index_cast %get3A_138 : i32 to index
      %get3A_140 = arith.index_cast %mul3A_133 : i32 to index
      %get3A_141 = tpu.vector_load %arg17[%get3A_139, %get3A_140] {strides = array<i32>} : memref<16x512xf32, #tpu.memory_space<vmem>>, vector<16xf32>,
      %add3A_142 = arith.addf %get3A_137, %get3A_141 : vector<16xf32>
      %get3A_143 = arith.constant 2 : i32
      %get3A_144 = arith.index_cast %get3A_143 : i32 to index
      %get3A_145 = arith.index_cast %mul3A_133 : i32 to index
      %get3A_146 = tpu.vector_load %arg17[%get3A_144, %get3A_145] {strides = array<i32>} : memref<16x512xf32, #tpu.memory_space<vmem>>, vector<16xf32>,
      %add3A_147 = arith.addf %add3A_142, %get3A_146 : vector<16xf32>
      %get3A_148 = arith.constant 3 : i32
      %get3A_149 = arith.index_cast %get3A_148 : i32 to index
      %get3A_150 = arith.index_cast %mul3A_133 : i32 to index
      %get3A_151 = tpu.vector_load %arg17[%get3A_149, %get3A_150] {strides = array<i32>} : memref<16x512xf32, #tpu.memory_space<vmem>>, vector<16xf32>,
      %add3A_152 = arith.addf %add3A_147, %get3A_151 : vector<16xf32>
      %get3A_153 = arith.constant 4 : i32
      %get3A_154 = arith.index_cast %get3A_153 : i32 to index
      %get3A_155 = arith.index_cast %mul3A_133 : i32 to index
      %get3A_156 = tpu.vector_load %arg17[%get3A_154, %get3A_155] {strides = array<i32>} : memref<16x512xf32, #tpu.memory_space<vmem>>, vector<16xf32>,
      %add3A_157 = arith.addf %add3A_152, %get3A_156 : vector<16xf32>
      %get3A_158 = arith.constant 5 : i32
      %get3A_159 = arith.index_cast %get3A_158 : i32 to index
      %get3A_160 = arith.index_cast %mul3A_133 : i32 to index
      %get3A_161 = tpu.vector_load %arg17[%get3A_159, %get3A_160] {strides = array<i32>} : memref<16x512xf32, #tpu.memory_space<vmem>>, vector<16xf32>,
      %add3A_162 = arith.addf %add3A_157, %get3A_161 : vector<16xf32>
      %get3A_163 = arith.constant 6 : i32
      %get3A_164 = arith.index_cast %get3A_163 : i32 to index
      %get3A_165 = arith.index_cast %mul3A_133 : i32 to index
      %get3A_166 = tpu.vector_load %arg17[%get3A_164, %get3A_165] {strides = array<i32>} : memref<16x512xf32, #tpu.memory_space<vmem>>, vector<16xf32>,
      %add3A_167 = arith.addf %add3A_162, %get3A_166 : vector<16xf32>
      %get3A_168 = arith.constant 7 : i32
      %get3A_169 = arith.index_cast %get3A_168 : i32 to index
      %get3A_170 = arith.index_cast %mul3A_133 : i32 to index
      %get3A_171 = tpu.vector_load %arg17[%get3A_169, %get3A_170] {strides = array<i32>} : memref<16x512xf32, #tpu.memory_space<vmem>>, vector<16xf32>,
      %add3A_172 = arith.addf %add3A_167, %get3A_171 : vector<16xf32>
      %get3A_173 = arith.constant 8 : i32
      %get3A_174 = arith.index_cast %get3A_173 : i32 to index
      %get3A_175 = arith.index_cast %mul3A_133 : i32 to index
      %get3A_176 = tpu.vector_load %arg17[%get3A_174, %get3A_175] {strides = array<i32>} : memref<16x512xf32, #tpu.memory_space<vmem>>, vector<16xf32>,
      %add3A_177 = arith.addf %add3A_172, %get3A_176 : vector<16xf32>
      %get3A_178 = arith.constant 9 : i32
      %get3A_179 = arith.index_cast %get3A_178 : i32 to index
      %get3A_180 = arith.index_cast %mul3A_133 : i32 to index
      %get3A_181 = tpu.vector_load %arg17[%get3A_179, %get3A_180] {strides = array<i32>} : memref<16x512xf32, #tpu.memory_space<vmem>>, vector<16xf32>,
      %add3A_182 = arith.addf %add3A_177, %get3A_181 : vector<16xf32>
      %get3A_183 = arith.constant 10 : i32
      %get3A_184 = arith.index_cast %get3A_183 : i32 to index
      %get3A_185 = arith.index_cast %mul3A_133 : i32 to index
      %get3A_186 = tpu.vector_load %arg17[%get3A_184, %get3A_185] {strides = array<i32>} : memref<16x512xf32, #tpu.memory_space<vmem>>, vector<16xf32>,
      %add3A_187 = arith.addf %add3A_182, %get3A_186 : vector<16xf32>
      %get3A_188 = arith.constant 11 : i32
      %get3A_189 = arith.index_cast %get3A_188 : i32 to index
      %get3A_190 = arith.index_cast %mul3A_133 : i32 to index
      %get3A_191 = tpu.vector_load %arg17[%get3A_189, %get3A_190] {strides = array<i32>} : memref<16x512xf32, #tpu.memory_space<vmem>>, vector<16xf32>,
      %add3A_192 = arith.addf %add3A_187, %get3A_191 : vector<16xf32>
      %get3A_193 = arith.constant 12 : i32
      %get3A_194 = arith.index_cast %get3A_193 : i32 to index
      %get3A_195 = arith.index_cast %mul3A_133 : i32 to index
      %get3A_196 = tpu.vector_load %arg17[%get3A_194, %get3A_195] {strides = array<i32>} : memref<16x512xf32, #tpu.memory_space<vmem>>, vector<16xf32>,
      %add3A_197 = arith.addf %add3A_192, %get3A_196 : vector<16xf32>
      %get3A_198 = arith.constant 13 : i32
      %get3A_199 = arith.index_cast %get3A_198 : i32 to index
      %get3A_200 = arith.index_cast %mul3A_133 : i32 to index
      %get3A_201 = tpu.vector_load %arg17[%get3A_199, %get3A_200] {strides = array<i32>} : memref<16x512xf32, #tpu.memory_space<vmem>>, vector<16xf32>,
      %add3A_202 = arith.addf %add3A_197, %get3A_201 : vector<16xf32>
      %get3A_203 = arith.constant 14 : i32
      %get3A_204 = arith.index_cast %get3A_203 : i32 to index
      %get3A_205 = arith.index_cast %mul3A_133 : i32 to index
      %get3A_206 = tpu.vector_load %arg17[%get3A_204, %get3A_205] {strides = array<i32>} : memref<16x512xf32, #tpu.memory_space<vmem>>, vector<16xf32>,
      %add3A_207 = arith.addf %add3A_202, %get3A_206 : vector<16xf32>
      %get3A_208 = arith.constant 15 : i32
      %get3A_209 = arith.index_cast %get3A_208 : i32 to index
      %get3A_210 = arith.index_cast %mul3A_133 : i32 to index
      %get3A_211 = tpu.vector_load %arg17[%get3A_209, %get3A_210] {strides = array<i32>} : memref<16x512xf32, #tpu.memory_space<vmem>>, vector<16xf32>,
      %add3A_212 = arith.addf %add3A_207, %get3A_211 : vector<16xf32>
      %add3A_213 = arith.addf %add3A_212, %get3A_106 : vector<16xf32>
      %neg3A = arith.constant 0.000000e+00 : f32
      %neg3A_214 = vector.broadcast %neg3A : f32 to vector<16xf32>
      %neg3A_215 = arith.subf %neg3A_214, %add3A_213 : vector<16xf32>
      %exp3A = math.exp %neg3A_215 : vector<16xf32>
      %add3A_216 = arith.constant 1.000000e+00 : f32
      %add3A_217 = vector.broadcast %add3A_216 : f32 to vector<16xf32>
      %add3A_218 = arith.addf %add3A_217, %exp3A : vector<16xf32>
      %div3A_219 = arith.constant 1.000000e+00 : f32
      %div3A_220 = vector.broadcast %div3A_219 : f32 to vector<16xf32>
      %div3A_221 = arith.divf %div3A_220, %add3A_218 : vector<16xf32>
      %swap3A = arith.index_cast %mul3A_133 : i32 to index
      %swap3A_222 = tpu.vector_load %arg18[%swap3A] {strides = array<i32>} : memref<512xf32, #tpu.memory_space<vmem>>, vector<16xf32>,
      tpu.vector_store %arg18[%swap3A], %div3A_221 {strides = array<i32>} : memref<512xf32, #tpu.memory_space<vmem>>, vector<16xf32>,
    }
    %scan3A_112 = arith.constant 32 : i32
    %mul3A_113 = arith.constant 512 : i32
    %mul3A_114 = arith.muli %arg1, %mul3A_113 : i32
    %add3A_115 = arith.addi %mul3A_1, %mul3A_114 : i32
    "tpu.region"() ({
      %run_scoped3A = tpu.sem_alloc : memref<!tpu.dma_semaphore, #tpu.memory_space<semaphore_mem>>
      %dma_start3A_131 = tpu.memref_slice %arg7[%add3A_115] : memref<16384xf32, #tpu.memory_space<hbm>> -> memref<512xf32, #tpu.memory_space<hbm>>
      %dma_start3A_132 = tpu.memref_slice %arg7[%add3A_115] : memref<16384xf32, #tpu.memory_space<hbm>> -> memref<512xf32, #tpu.memory_space<hbm>>
      tpu.enqueue_dma source(%arg18 : memref<512xf32, #tpu.memory_space<vmem>>) target(%dma_start3A_132 : memref<512xf32, #tpu.memory_space<hbm>>) target_semaphore(%run_scoped3A : memref<!tpu.dma_semaphore, #tpu.memory_space<semaphore_mem>>)
      %dma_wait3A_133 = tpu.memref_slice %arg7[%add3A_115] : memref<16384xf32, #tpu.memory_space<hbm>> -> memref<512xf32, #tpu.memory_space<hbm>>
      %dma_wait3A_134 = tpu.memref_slice %arg7[%add3A_115] : memref<16384xf32, #tpu.memory_space<hbm>> -> memref<512xf32, #tpu.memory_space<hbm>>
      tpu.wait_dma2 semaphore(%run_scoped3A : memref<!tpu.dma_semaphore, #tpu.memory_space<semaphore_mem>>) src(%arg18 : memref<512xf32, #tpu.memory_space<vmem>>) dst(%dma_wait3A_134 : memref<512xf32, #tpu.memory_space<hbm>>)
      tpu.yield
    }) : () -> ()
    %dma_wait3A = tpu.memref_slice %arg8[%arg1, %mul3A_1] : memref<32x16384xf32, #tpu.memory_space<hbm>> -> memref<1x8192xf32, #tpu.memory_space<hbm>>
    %dma_wait3A_116 = tpu.memref_squeeze %dma_wait3A : memref<1x8192xf32, #tpu.memory_space<hbm>> -> memref<8192xf32, #tpu.memory_space<hbm>>
    %dma_wait3A_117 = tpu.memref_slice %arg8[%arg1, %mul3A_1] : memref<32x16384xf32, #tpu.memory_space<hbm>> -> memref<1x8192xf32, #tpu.memory_space<hbm>>
    %dma_wait3A_118 = tpu.memref_squeeze %dma_wait3A_117 : memref<1x8192xf32, #tpu.memory_space<hbm>> -> memref<8192xf32, #tpu.memory_space<hbm>>
    tpu.wait_dma2 semaphore(%arg23 : memref<!tpu.dma_semaphore, #tpu.memory_space<semaphore_mem>>) src(%arg12 : memref<8192xf32, #tpu.memory_space<vmem>>) dst(%dma_wait3A_118 : memref<8192xf32, #tpu.memory_space<hbm>>)
    %dma_wait3A_119 = tpu.memref_slice %arg8[%add3A_0, %mul3A_1] : memref<32x16384xf32, #tpu.memory_space<hbm>> -> memref<1x8192xf32, #tpu.memory_space<hbm>>
    %dma_wait3A_120 = tpu.memref_squeeze %dma_wait3A_119 : memref<1x8192xf32, #tpu.memory_space<hbm>> -> memref<8192xf32, #tpu.memory_space<hbm>>
    %dma_wait3A_121 = tpu.memref_slice %arg8[%add3A_0, %mul3A_1] : memref<32x16384xf32, #tpu.memory_space<hbm>> -> memref<1x8192xf32, #tpu.memory_space<hbm>>
    %dma_wait3A_122 = tpu.memref_squeeze %dma_wait3A_121 : memref<1x8192xf32, #tpu.memory_space<hbm>> -> memref<8192xf32, #tpu.memory_space<hbm>>
    tpu.wait_dma2 semaphore(%arg23 : memref<!tpu.dma_semaphore, #tpu.memory_space<semaphore_mem>>) src(%arg13 : memref<8192xf32, #tpu.memory_space<vmem>>) dst(%dma_wait3A_122 : memref<8192xf32, #tpu.memory_space<hbm>>)
    %dma_wait3A_123 = tpu.memref_slice %arg9[%arg1, %mul3A_1] : memref<32x16384xf32, #tpu.memory_space<hbm>> -> memref<1x8192xf32, #tpu.memory_space<hbm>>
    %dma_wait3A_124 = tpu.memref_squeeze %dma_wait3A_123 : memref<1x8192xf32, #tpu.memory_space<hbm>> -> memref<8192xf32, #tpu.memory_space<hbm>>
    %dma_wait3A_125 = tpu.memref_slice %arg9[%arg1, %mul3A_1] : memref<32x16384xf32, #tpu.memory_space<hbm>> -> memref<1x8192xf32, #tpu.memory_space<hbm>>
    %dma_wait3A_126 = tpu.memref_squeeze %dma_wait3A_125 : memref<1x8192xf32, #tpu.memory_space<hbm>> -> memref<8192xf32, #tpu.memory_space<hbm>>
    tpu.wait_dma2 semaphore(%arg23 : memref<!tpu.dma_semaphore, #tpu.memory_space<semaphore_mem>>) src(%arg14 : memref<8192xf32, #tpu.memory_space<vmem>>) dst(%dma_wait3A_126 : memref<8192xf32, #tpu.memory_space<hbm>>)
    %dma_wait3A_127 = tpu.memref_slice %arg9[%add3A_0, %mul3A_1] : memref<32x16384xf32, #tpu.memory_space<hbm>> -> memref<1x8192xf32, #tpu.memory_space<hbm>>
    %dma_wait3A_128 = tpu.memref_squeeze %dma_wait3A_127 : memref<1x8192xf32, #tpu.memory_space<hbm>> -> memref<8192xf32, #tpu.memory_space<hbm>>
    %dma_wait3A_129 = tpu.memref_slice %arg9[%add3A_0, %mul3A_1] : memref<32x16384xf32, #tpu.memory_space<hbm>> -> memref<1x8192xf32, #tpu.memory_space<hbm>>
    %dma_wait3A_130 = tpu.memref_squeeze %dma_wait3A_129 : memref<1x8192xf32, #tpu.memory_space<hbm>> -> memref<8192xf32, #tpu.memory_space<hbm>>
    tpu.wait_dma2 semaphore(%arg23 : memref<!tpu.dma_semaphore, #tpu.memory_space<semaphore_mem>>) src(%arg15 : memref<8192xf32, #tpu.memory_space<vmem>>) dst(%dma_wait3A_130 : memref<8192xf32, #tpu.memory_space<hbm>>)
    return
  }
}

module attributes {stable_mosaic.version = 14 : i64} {
  func.func @_tc_copy_body(%arg0: i32, %arg1: i32, %arg2: memref<8x2048xf32, #tpu.memory_space<vmem>>, %arg3: memref<16384xf32, #tpu.memory_space<vmem>>) attributes {dimension_semantics = [#tpu.dimension_semantics<arbitrary>, #tpu.dimension_semantics<arbitrary>], iteration_bounds = array<i64: 4, 489>, scalar_prefetch = 0 : i64, scratch_operands = 0 : i64, tpu.core_type = #tpu.core_type<tc>, window_params = [{transform_indices = @transform_0, window_bounds = array<i64: 8, 2048>}, {transform_indices = @transform_1, window_bounds = array<i64: 16384>}]} {
    %get3A = arith.constant 0 : index
    %get3A_0 = arith.constant 0 : index
    %get3A_1 = vector.load %arg2[%get3A, %get3A_0] : memref<8x2048xf32, #tpu.memory_space<vmem>>, vector<8x2048xf32>
    %reshape3A = vector.shape_cast %get3A_1 : vector<8x2048xf32> to vector<16384xf32>
    %swap3A = arith.constant 0 : index
    %swap3A_2 = vector.load %arg3[%swap3A] : memref<16384xf32, #tpu.memory_space<vmem>>, vector<16384xf32>
    tpu.vector_store %arg3[%swap3A], %reshape3A {strides = array<i32>} : memref<16384xf32, #tpu.memory_space<vmem>>, vector<16384xf32>,
    return
  }
  func.func @transform_0(%arg0: i32, %arg1: i32) -> (i32, i32) {
    %c0_i32 = arith.constant 0 : i32
    return %arg0, %arg1 : i32, i32
  }
  func.func @transform_1(%arg0: i32, %arg1: i32) -> i32 {
    %mul3A = arith.constant 489 : i32
    %mul3A_0 = arith.muli %arg0, %mul3A : i32
    %add3A = arith.addi %mul3A_0, %arg1 : i32
    %c0_i32 = arith.constant 0 : i32
    return %add3A : i32
  }
}

</mosaic_0001>

<sc_bundles>
// kernel: kernel.5.cloned.1.call-start
scs
__scs_entry_jumppad:
0x0: {  	(pc) =	sbr.rel $0x88, $3  }
0x1: {  	(tag) =	ssettag $0x0;
	lr =	simm.s32 $0x1  }
0x2: {  	[smem:$0x3F9C] =	sst lr;
	_ =	strace $0xD0000000  }
0x3: {  	_ = 	snop  }
0x4: {  	_ = 	snop  }
0x5: {  	_ = 	snop  }
0x6: {  	_ = 	snop  }
0x7: {  	_ = 	snop  }
__scs_overlays_trampoline_lowered:
0x8: {  	[smem:$0x3FAB] =	sst s0  }
0x9: {  	[smem:$0x3FAC] =	sst s1  }
0xa: {  	[smem:$0x3FAD] =	sst s2  }
0xb: {  	[smem:$0x3FAE] =	sst s3  }
0xc: {  	[smem:$0x3FAF] =	sst s4  }
0xd: {  	[smem:$0x3FB0] =	sst s5  }
0xe: {  	[smem:$0x3FB1] =	sst s6  }
0xf: {  	[smem:$0x3FB2] =	sst s7  }
0x10: {  	[smem:$0x3FB3] =	sst s8  }
0x11: {  	[smem:$0x3FB4] =	sst s9;
	s0 =	simm.s32 @!p0 $0x0  }
0x12: {  	s1 =	sld [smem:$0x3F9A];
	s0 =	simm.s32 @p0 $0x1  }
0x13: {  	[smem:$0x3FB5] =	sst s0;
	s0 =	simm.s32 @!p1 $0x0  }
0x14: {  	s2 =	sld [smem:$0x3F99];
	s0 =	simm.s32 @p1 $0x1  }
0x15: {  	[smem:$0x3FB6] =	sst s0;
	s0 =	simm.s32 @!p2 $0x0  }
0x16: {  	s3 =	sld [smem:$0x3FDB];
	s0 =	simm.s32 @p2 $0x1  }
0x17: {  	s4 =	simm.s32 $0x1BF5;
	[smem:$0x3FB8] =	sst s0  }
0x18: {  	s0 =	sld [smem:$0x3F9B];
	_ =	swait.ge [sflag:s4], $0x0  }
0x19: {  	s7 =	sld [smem:$0x3F9C]  }
0x1a: {  	s8 =	sadd.s32 $0xFFFFE003, lr  }
0x1b: {  	s9 =	sadd.s32 $0xFFFFFEF7, lr;
	s5 =	simm.s32 $0xFFFFFFFF;
	p2 =	slt.u32 s8, $0xFFFFF086  }
0x1c: {  	p1 =	slt.u32 s9, $0xF7A;
	s5 =	simm.s32 @!p2 $0x0  }
0x1d: {  	s5 =	simm.s32 @p1 $0x1;
	p0 =	seq.s32 s7, s2  }
0x1e: {  	s7 =	smul.u32 @!p0 $0xF7A, s2;
	p2 =	seq.s32 @!p0 s5, $0x0  }
0x1f: {  	s9 =	smul.u32 $0xF7A, s1;
	s8 =	simm.s32 @!p0 $0x1BF5;
	p2 =	por !p2, p0  }
0x20: {  	[sflag:s8] =	ssyncset.s32 @!p0 $0xFFFFF086;
	s6 =	sadd.s32 @!p0 s3, s7;
	s7 =	simm.s32 @!p0 $0x108  }
0x21: {  	s3 =	sadd.s32 s3, s9;
	s6 =	sadd.s32 @!p0 $0x88, s6;
	s7 =	simm.s32 @p2 $0x1082  }
0x22: {  	[simem:s7], [sflag:s8] =	dma.local @!p0 [hbm:s6], $0xF7A  }
0x23: {  	s9 =	sor.u32 $0xD0000000, s2;
	s6 =	simm.s32 $0x108;
	_ =	swait.ge @!p0 [sflag:s8], $0x0  }
0x24: {  	s3 =	sadd.s32 $0x88, s3;
	s6 =	simm.s32 @!p1 $0x1082;
	[sflag:s4] =	ssyncset.s32 $0xFFFFF086  }
0x25: {  	[simem:s6], [sflag:s4] =	dma.local [hbm:s3], $0xF7A  }
0x26: {  	[smem:$0x3F9C] =	sst s1;
	(tag) =	ssettag s2;
	_ =	strace s9  }
0x27: {  	s1 =	sld [smem:$0x3FAC]  }
0x28: {  	s2 =	sld [smem:$0x3FAD]  }
0x29: {  	s4 =	sld [smem:$0x3FAF]  }
0x2a: {  	p0 =	seq.s32 s5, $0x0;
	s5 =	sld [smem:$0x3FB0]  }
0x2b: {  	s6 =	sld [smem:$0x3FB1]  }
0x2c: {  	s7 =	sld [smem:$0x3FB2]  }
0x2d: {  	s3 =	simm.s32 $0x108;
	s8 =	sld [smem:$0x3FB3]  }
0x2e: {  	s3 =	simm.s32 @!p0 $0x1082;
	s9 =	sld [smem:$0x3FB4]  }
0x2f: {  	lr =	sadd.s32 s0, s3;
	s0 =	sld [smem:$0x3FAB]  }
0x30: {  	s3 =	sld [smem:$0x3FAE]  }
0x31: {  	[smem:$0x3FB7] =	sst s10  }
0x32: {  	s10 =	sld [smem:$0x3FB5];
	_ =	sdelay $0x3  }
0x33: {  	p0 =	seq.s32 s10, $0x1;
	s10 =	sld [smem:$0x3FB7];
	_ =	sdelay $0x3  }
0x34: {  	[smem:$0x3FB7] =	sst s10  }
0x35: {  	s10 =	sld [smem:$0x3FB6];
	_ =	sdelay $0x3  }
0x36: {  	p1 =	seq.s32 s10, $0x1;
	s10 =	sld [smem:$0x3FB7];
	_ =	sdelay $0x3  }
0x37: {  	[smem:$0x3FB7] =	sst s10  }
0x38: {  	s10 =	sld [smem:$0x3FB8]  }
0x39: {  	_ = 	snop;
	(pc) =	sbr.ind lr, $3  }
0x3a: {  	_ = 	snop  }
0x3b: {  	_ = 	snop  }
0x3c: {  	p2 =	seq.s32 s10, $0x1;
	s10 =	sld [smem:$0x3FB7]  }
0x3d: {  	_ =	shalt  }
0x3e: {  	_ =	shalt  }
0x3f: {  	_ =	shalt  }
0x40: {  	_ =	shalt  }
0x41: {  	_ =	shalt  }
0x42: {  	_ =	shalt  }
0x43: {  	_ =	shalt  }
0x44: {  	_ =	shalt  }
0x45: {  	_ =	shalt  }
0x46: {  	_ =	shalt  }
0x47: {  	_ =	shalt  }
0x48: {  	_ =	shalt  }
0x49: {  	_ =	shalt  }
0x4a: {  	_ =	shalt  }
0x4b: {  	_ =	shalt  }
0x4c: {  	_ =	shalt  }
0x4d: {  	_ =	shalt  }
0x4e: {  	_ =	shalt  }
0x4f: {  	_ =	shalt  }
0x50: {  	_ =	shalt  }
0x51: {  	_ =	shalt  }
0x52: {  	_ =	shalt  }
0x53: {  	_ =	shalt  }
0x54: {  	_ =	shalt  }
0x55: {  	_ =	shalt  }
0x56: {  	_ =	shalt  }
0x57: {  	_ =	shalt  }
0x58: {  	_ =	shalt  }
0x59: {  	_ =	shalt  }
0x5a: {  	_ =	shalt  }
0x5b: {  	_ =	shalt  }
0x5c: {  	_ =	shalt  }
0x5d: {  	_ =	shalt  }
0x5e: {  	_ =	shalt  }
0x5f: {  	_ =	shalt  }
0x60: {  	_ =	shalt  }
0x61: {  	_ =	shalt  }
0x62: {  	_ =	shalt  }
0x63: {  	_ =	shalt  }
0x64: {  	_ =	shalt  }
0x65: {  	_ =	shalt  }
0x66: {  	_ =	shalt  }
0x67: {  	_ =	shalt  }
0x68: {  	_ =	shalt  }
0x69: {  	_ =	shalt  }
0x6a: {  	_ =	shalt  }
0x6b: {  	_ =	shalt  }
0x6c: {  	_ =	shalt  }
0x6d: {  	_ =	shalt  }
0x6e: {  	_ =	shalt  }
0x6f: {  	_ =	shalt  }
0x70: {  	_ =	shalt  }
0x71: {  	_ =	shalt  }
0x72: {  	_ =	shalt  }
0x73: {  	_ =	shalt  }
0x74: {  	_ =	shalt  }
0x75: {  	_ =	shalt  }
0x76: {  	_ =	shalt  }
0x77: {  	_ =	shalt  }
0x78: {  	_ =	shalt  }
0x79: {  	_ =	shalt  }
0x7a: {  	_ =	shalt  }
0x7b: {  	_ =	shalt  }
0x7c: {  	_ =	shalt  }
0x7d: {  	_ =	shalt  }
0x7e: {  	_ =	shalt  }
0x7f: {  	_ =	shalt  }
0x80: {  	_ =	shalt  }
0x81: {  	_ =	shalt  }
0x82: {  	_ =	shalt  }
0x83: {  	_ =	shalt  }
0x84: {  	_ =	shalt  }
0x85: {  	_ =	shalt  }
0x86: {  	_ =	shalt  }
0x87: {  	_ =	shalt  }
.Lfunc_end0:
.L_simem_size_0:
called_computation_lowered:
.L_overlay_start_0:
0x88: {  	s2 =	sld [smem:$0x3FD9]  }
0x89: {  	s3 =	sld [smem:$0x3FFE];
	_ =	sdelay $0x1  }
0x8a: {  	s1 =	srdreg.scid  }
0x8b: {  	s0 =	sand.u32 $0x1, s1  }
0x8c: {  	s14 =	sshll.u32 s0, $0xA;
	s2 =	sadd.s32 s3, s2  }
0x8d: {  	s2 =	sadd.s32 s2, s14  }
0x8e: {  	[smem:$0x3FC3] =	sst s2  }
0x8f: {  	_ = 	snop  }
0x90: {  	s2 =	sld [smem:$0x3FD0];
	_ =	sdelay $0x1  }
0x91: {  	s15 =	sld [smem:$0x3FC9]  }
0x92: {  	s5 =	simm.s32 $0xA;
	s6 =	simm.s32 $0x10;
	s4 =	sld [smem:$0x3FC6]  }
0x93: {  	[smem:s6], [sflag:s5] =	dma.local [hbm:s2], $0x1  }
0x94: {  	_ =	swait.eq [sflag:s5], $0x1  }
0x95: {  	s16 =	sld [smem:$0x10];
	[sflag:s5] =	ssyncset.done $0x0  }
0x96: {  	s17 =	sld [smem:$0x11];
	[sflag:s5] =	ssyncadd.s32 $0xFFFFFFFF  }
0x97: {  	s18 =	sld [smem:$0x12];
	(tm) =	ssettm $0x1  }
0x98: {  	s7 =	sld [smem:$0x3FFB];
	_ =	sdelay $0x3  }
0x99: {  	_ =	strace s7  }
0x9a: {  	s7 =	sld [smem:$0x3FFC];
	_ =	sdelay $0x3  }
0x9b: {  	_ =	strace s7  }
0x9c: {  	s7 =	sld [smem:$0x3FFD];
	_ =	sdelay $0x3  }
0x9d: {  	_ =	strace s7  }
0x9e: {  	_ =	strace $0x8FFFFFFF  }
0x9f: {  	s19 =	sld [smem:$0x3FDB];
	_ =	sdelay $0x1  }
0xa0: {  	s8 =	simm.s32 $_scs_section_size  }
0xa1: {  	s9 =	simm.s32 $_size__tile_overlayer_lowered;
	s10 =	simm.s32 $_tile_overlayer_lowered  }
0xa2: {  	s22 =	simm.s32 $0x1BFF;
	s21 =	sshll.u32 s10, $0x1;
	s7 =	sadd.s32 s8, s19  }
0xa3: {  	s11 =	simm.s32 $0x0;
	s20 =	sshll.u32 s9, $0x1;
	s9 =	sadd.s32 s21, s7  }
0xa4: {  	[timem:s11], [sflag:s22] =	dma.local [hbm:s9], s20  }
0xa5: {  	_ =	swait.ge [sflag:s22], s20  }
0xa6: {  	s8 =	ssub.s32 $0x0, s20;
	[sflag:s22] =	ssyncset.done $0x0  }
0xa7: {  	[sflag:s22] =	ssyncadd.s32 s8;
	_ =	sdelay $0x1  }
0xa8: {  	s23 =	simm.s32 $0x1B8B  }
0xa9: {  	_ =	swait.ge [sflag:s23], $0x1  }
0xaa: {  	[sflag:s23] =	ssyncset.done $0x0  }
0xab: {  	s25 =	simm.s32 $0x1B8E;
	s24 =	sld [smem:$0x3FFE];
	[sflag:s23] =	ssyncadd.s32 $0xFFFFFFFF  }
0xac: {  	s26 =	simm.s32 $execute0_lowered;
	[smem:$0x3FD2] =	sst s25  }
0xad: {  	s9 =	sshll.u32 s26, $0x1;
	_ =	strace $0x80000046;
	[dreg:$0x1] =	wrdreg $0xFFFFFFFF  }
0xae: {  	s28 =	simm.s32 $_size_execute0_lowered;
	s7 =	sadd.s32 s7, s9;
	[dreg:$0x0] =	wrdreg $0x0  }
0xaf: {  	s9 =	sshll.u32 s28, $0x1;
	[dreg:$0x2] =	wrdreg s7  }
0xb0: {  	[dreg:$0x3] =	wrdreg s9  }
0xb1: {  	[dreg:$0x4] =	wrdreg $0xC0  }
0xb2: {  	_ =	task [dreg:s11], $0x5FFFF  }
0xb3: {  	[dreg:$0x1] =	wrdreg $0xFFFFFFFF  }
0xb4: {  	[dreg:$0x0] =	wrdreg $0x60  }
0xb5: {  	[dreg:$0x2] =	wrdreg s15  }
0xb6: {  	[dreg:$0x3] =	wrdreg s24  }
0xb7: {  	[dreg:$0x4] =	wrdreg s4  }
0xb8: {  	[dreg:$0x5] =	wrdreg s17  }
0xb9: {  	[dreg:$0x6] =	wrdreg s16  }
0xba: {  	[dreg:$0x7] =	wrdreg s18  }
0xbb: {  	[dreg:$0x8] =	wrdreg $0x102300  }
0xbc: {  	[dreg:$0x9] =	wrdreg $0x9  }
0xbd: {  	_ =	task.clear_ibuf [dreg:s11], $0xAFFFF;
	_ =	strace $0x90000046  }
0xbe: {  	s29 =	simm.s32 $0x9;
	_ =	strace $0x80000048  }
0xbf: {  	_ =	swait.ge [sflag:s29], $0x1  }
0xc0: {  	[sflag:s29] =	ssyncadd.s32 $0xFFFFFFFF  }
0xc1: {  	_ =	strace $0x90000048  }
0xc2: {  	_ =	sfence  }
0xc3: {  	s30 =	sld [smem:$0x0];
	_ =	sdelay $0x2  }
0xc4: {  	s31 =	sshll.u32 s1, $0xD;
	s1 =	sshrl.u32 s1, $0x2  }
0xc5: {  	s3 =	sand.u32 $0x4000, s31;
	s1 =	sadd.s32 s1, s30  }
0xc6: {  	s0 =	sor.u32 s3, s0;
	s1 =	sshll.u32 s1, $0x11  }
0xc7: {  	s0 =	sor.u32 s1, s0  }
0xc8: {  	s0 =	sadd.s32 $0x8F2B, s0  }
0xc9: {  	[sflag:s0] =	ssyncadd.remote.s32 $0x1  }
0xca: {  	_ =	sfence.sel $0xFFFF  }
0xcb: {  	[dreg:$0x0] =	wrdreg $0xFFFFFFFF;
	(pc) =	sbr.abs _section_cstart, $3  }
0xcc: {  	[dreg:$0x1] =	wrdreg $0xFFFFFFFF  }
0xcd: {  	_ =	task.clear_ibuf [dreg:s11], $0x2FFFF;
	_ =	strace $0x9FFFFFFF  }
0xce: {  	(tm) =	ssettm $0x7FFFFFFF  }
0xcf: {  	_ =	shalt  }
tec
execute0_lowered:
.L_overlay_start_1:
0x0: {  	(tag) =	ssettag $0x1  }
0x1: {  	s0 =	rddreg [dreg:$0x0]  }
0x2: {  	s1 =	rddreg [dreg:$0x1]  }
0x3: {  	s2 =	rddreg [dreg:$0x4]  }
0x4: {  	s4 =	rddreg [dreg:$0x5]  }
0x5: {  	s15 =	rddreg [dreg:$0x6];
	s3 =	simm.s32 $0x0;
	s5 =	srdreg.scid  }
0x6: {  	s19 =	stileid.u32;
	s18 =	simm.s32 $0x3;
	s28 =	simm.s32 $0xC000  }
0x7: {  	s29 =	simm.s32 $0x200;
	s30 =	simm.s32 $0x2000;
	s31 =	simm.s32 $0xE000  }
0x8: {  	[smem:$0x7FF] =	sst s3;
	s5 =	sand.u32 $0x1, s5;
	s7 =	sadd.s32 $0x800, s1  }
0x9: {  	s9 =	sadd.s32 $0x3D2800, s1;
	s1 =	sadd.s32 $0x7A4800, s1;
	s20 =	sshrl.u32 s19, $0x3  }
0xa: {  	s22 =	sshll.u32 s19, $0xB;
	s11 =	sshll.u32 s19, $0xE;
	s23 =	sshll.u32 s19, $0x9  }
0xb: {  	s24 =	sshll.u32 s19, $0xD;
	_ =	strace $0x80000047;
	s6 =	ssub.s32 $0x2, s5  }
0xc: {  	s14 =	sshll.u32 s5, $0xD;
	s5 =	sshll.u32 s5, $0xA;
	s21 =	smul.u32 $0x7A4000, s20  }
0xd: {  	s10 =	smul.u32 $0xF4800, s20;
	s8 =	sshrl.u32 s6, $0x1;
	s5 =	sadd.s32 s0, s5  }
0xe: {  	s0 =	sand.u32 $0x3800, s22;
	s11 =	sor.u32 s14, s11;
	s25 =	sor.u32 s23, s14  }
0xf: {  	s14 =	sadd.s32 s24, s15;
	s15 =	sadd.s32 s23, s15;
	s22 =	simm.s32 $0x1  }
0x10: {  	s17 =	ssub.s32 s6, s8;
	s8 =	sshrl.u32 s21, $0x3;
	s6 =	sadd.s32 s7, s10  }
0x11: {  	s13 =	sshrl.u32 s11, $0x3;
	s26 =	sshrl.u32 s25, $0x3;
	s21 =	simm.s32 $0x80  }
0x12: {  	v0 =	vmov s0;
	s0 =	simm.s32 $0x10000;
	s12 =	sadd.s32 $0x1E9000, s8;
	s8 =	sadd.s32 s9, s10  }
0x13: {  	s10 =	sadd.s32 s4, s13;
	s16 =	sor.u32 $0x8000, s13;
	s17 =	smax.u32 s17, $0x1  }
0x14: {  	s7 =	sadd.s32 s7, s12;
	s9 =	sadd.s32 s9, s12;
	s11 =	sadd.s32 s4, s16  }
0x15: {  	v2 =	vlaneseq.u32;
	v1 =	vmov s19;
	s12 =	sadd.s32 s1, s13;
	s13 =	sadd.s32 s1, s16;
	s16 =	sadd.s32 s2, s26  }
0x16: {  	vm0 =	veq.s32 v1, v2;
	s26 =	simm.s32 $0xA000;
	s4 =	simm.s32 $0x2;
	s1 =	simm.s32 $0x0  }
.LBB2_1:
0x17: {  	[tilespmem:s3], [sflag:$0x3] =	stream.linear.gather [hbm4b:s5+s3], $0x2000, $0x38;
	[tilespmem:$0x12230] =	vst v63  }
0x18: {  	_ =	swait.ge [sflag:s18], $0x2000  }
0x19: {  	[sflag:s18] =	ssyncset.done $0x0  }
0x1a: {  	[sflag:s18] =	ssyncadd.s32 $0xFFFFE000  }
0x1b: {  	s19 =	simm.s32 $0x10200;
	s2 =	rddreg [dreg:$0x2]  }
0x1c: {  	[tilespmem:s19], [sflag:$0x3] =	stream.linear.gather [hbm4b:s2+s3], $0x20, $0x38;
	[tilespmem:$0x12230] =	vst v63  }
0x1d: {  	_ =	swait.ge [sflag:s18], $0x20  }
0x1e: {  	[sflag:s18] =	ssyncset.done $0x0  }
0x1f: {  	[sflag:s18] =	ssyncadd.s32 $0xFFFFFFE0  }
0x20: {  	s25 =	simm.s32 $0x10220;
	s24 =	rddreg [dreg:$0x3]  }
0x21: {  	[tilespmem:s25], [sflag:$0x3] =	stream.linear.gather [hbm4b:s24+s3], $0x10, $0x38;
	[tilespmem:$0x12230] =	vst v63  }
0x22: {  	_ =	swait.ge [sflag:s18], $0x10  }
0x23: {  	[sflag:s18] =	ssyncset.done $0x0  }
0x24: {  	s2 =	simm.s32 $0x0;
	[sflag:s18] =	ssyncadd.s32 $0xFFFFFFF0  }
0x25: {  	s19 =	simm.s32 $0x40;
	v1 =	vld [tilespmem:s2+$0x0]  }
.LBB2_2:
0x26: {  	_ =	sdelay $0x1  }
0x27: {  	p0 =	sne.s32 s19, $0x7FC0  }
.Ltmp0:
0x28: {  	_ = 	snop;
	(pc) =	sbr.rel @p0 .LBB2_2-.Ltmp0, $4  }
0x29: {  	v2 =	vshll.u32 v1, $0x3;
	v3 =	vand.u32 $0x7FF, v1  }
0x2a: {  	v2 =	vand.u32 $0xFFFFC000, v2;
	v3 =	vor.u32 v0, v3  }
0x2b: {  	s20 =	sshra.s32 s19, $0x2;
	v2 =	vor.u32 v2, v3  }
0x2c: {  	s19 =	sadd.s32 $0x40, s19;
	v1 =	vld [tilespmem:s20+$0x0];
	[tilespmem:s2+$0x2000] =	vst v2;
	s2 =	smov.u32 s20  }
0x2d: {  	_ =	sdelay $0x3  }
0x2e: {  	v2 =	vshll.u32 v1, $0x3;
	v1 =	vand.u32 $0x7FF, v1  }
0x2f: {  	v2 =	vand.u32 $0xFFFFC000, v2;
	v1 =	vor.u32 v0, v1  }
0x30: {  	v1 =	vor.u32 v2, v1  }
0x31: {  	s19 =	simm.s32 $0x2000;
	s23 =	simm.s32 $0x4000;
	[tilespmem:s2+$0x2000] =	vst v1  }
0x32: {  	[tilespmem:s23], [sflag:$0x1] =	stream.indirect.gather [hbm4b:s6+s21], $0x1, s19, s21, $0xb8;
	[tilespmem:$0x12230] =	vst v63  }
0x33: {  	s24 =	simm.s32 $0x6000;
	s25 =	simm.s32 $0x8000  }
0x34: {  	[tilespmem:s24], [sflag:$0x1] =	stream.indirect.gather [hbm4b:s7+s21], $0x1, s19, s21, $0xb8;
	[tilespmem:$0x12230] =	vst v63  }
0x35: {  	s20 =	simm.s32 $0x400;
	s2 =	simm.s32 $0x80;
	s23 =	simm.s32 $0xA000  }
0x36: {  	[tilespmem:s25], [sflag:$0x1] =	stream.indirect.gather [hbm4b:s8+s21], $0x1, s19, s21, $0xb8;
	[tilespmem:$0x12230] =	vst v63  }
.LBB2_4:
0x37: {  	[tilespmem:s23], [sflag:$0x1] =	stream.indirect.gather [hbm4b:s9+s21], $0x1, s19, s21, $0xb8;
	[tilespmem:$0x12230] =	vst v63  }
0x38: {  	s19 =	smov.u32 s20;
	s24 =	sshra.s32 s20, $0x2  }
0x39: {  	s23 =	sadd.s32 $0x4000, s2;
	p0 =	sne.s32 s20, $0x7E00;
	s19 =	sadd.s32 $0x2000, s2  }
0x3a: {  	[tilespmem:s23], [sflag:$0x1] =	stream.indirect.gather [hbm4b:s6+s21], $0x1, s19, s21, $0xb8;
	[tilespmem:$0x12230] =	vst v63  }
.Ltmp1:
0x3b: {  	s25 =	sadd.s32 $0x200, s20;
	s23 =	sadd.s32 $0x6000, s2;
	(pc) =	sbr.rel @p0 .LBB2_4-.Ltmp1, $4  }
0x3c: {  	[tilespmem:s23], [sflag:$0x1] =	stream.indirect.gather [hbm4b:s7+s21], $0x1, s19, s21, $0xb8;
	[tilespmem:$0x12230] =	vst v63  }
0x3d: {  	s20 =	sadd.s32 $0x8000, s2  }
0x3e: {  	[tilespmem:s20], [sflag:$0x1] =	stream.indirect.gather [hbm4b:s8+s21], $0x1, s19, s21, $0xb8;
	[tilespmem:$0x12230] =	vst v63  }
0x3f: {  	s23 =	sadd.s32 $0xA000, s2;
	s2 =	smov.u32 s24;
	s20 =	smov.u32 s25  }
0x40: {  	[tilespmem:s23], [sflag:$0x1] =	stream.indirect.gather [hbm4b:s9+s21], $0x1, s19, s21, $0xb8;
	[tilespmem:$0x12230] =	vst v63  }
0x41: {  	s19 =	sadd.s32 $0x2000, s2;
	s20 =	sadd.s32 $0x4000, s2  }
0x42: {  	[tilespmem:s20], [sflag:$0x1] =	stream.indirect.gather [hbm4b:s6+s21], $0x1, s19, s21, $0xb8;
	[tilespmem:$0x12230] =	vst v63  }
0x43: {  	s23 =	sadd.s32 $0x6000, s2  }
0x44: {  	[tilespmem:s23], [sflag:$0x1] =	stream.indirect.gather [hbm4b:s7+s21], $0x1, s19, s21, $0xb8;
	[tilespmem:$0x12230] =	vst v63  }
0x45: {  	s24 =	sadd.s32 $0x8000, s2  }
0x46: {  	[tilespmem:s24], [sflag:$0x1] =	stream.indirect.gather [hbm4b:s8+s21], $0x1, s19, s21, $0xb8;
	[tilespmem:$0x12230] =	vst v63  }
0x47: {  	s25 =	sadd.s32 $0xA000, s2  }
0x48: {  	[tilespmem:s25], [sflag:$0x1] =	stream.indirect.gather [hbm4b:s9+s21], $0x1, s19, s21, $0xb8;
	[tilespmem:$0x12230] =	vst v63  }
0x49: {  	_ =	swait.ge [sflag:s22], $0x80  }
0x4a: {  	[sflag:s22] =	ssyncset.done $0x0  }
0x4b: {  	[sflag:s22] =	ssyncadd.s32 $0xFFFFFF80  }
0x4c: {  	_ =	swait.ge [sflag:s22], $0x80  }
0x4d: {  	[sflag:s22] =	ssyncset.done $0x0  }
0x4e: {  	[sflag:s22] =	ssyncadd.s32 $0xFFFFFF80  }
0x4f: {  	_ =	swait.ge [sflag:s22], $0x80  }
0x50: {  	[sflag:s22] =	ssyncset.done $0x0  }
0x51: {  	[sflag:s22] =	ssyncadd.s32 $0xFFFFFF80  }
0x52: {  	_ =	swait.ge [sflag:s22], $0x80  }
0x53: {  	s2 =	simm.s32 $0x3F;
	[sflag:s22] =	ssyncset.done $0x0  }
.LBB2_6:
0x54: {  	p0 =	sne.s32 s2, $0x1;
	s2 =	sadd.s32 $0xFFFFFFFF, s2;
	[sflag:s22] =	ssyncadd.s32 $0xFFFFFF80  }
0x55: {  	_ =	swait.ge [sflag:s22], $0x80  }
0x56: {  	[sflag:s22] =	ssyncset.done $0x0  }
0x57: {  	[sflag:s22] =	ssyncadd.s32 $0xFFFFFF80  }
0x58: {  	_ =	swait.ge [sflag:s22], $0x80  }
0x59: {  	[sflag:s22] =	ssyncset.done $0x0  }
0x5a: {  	[sflag:s22] =	ssyncadd.s32 $0xFFFFFF80  }
.Ltmp2:
0x5b: {  	_ =	swait.ge [sflag:s22], $0x80;
	(pc) =	sbr.rel @p0 .LBB2_6-.Ltmp2, $4  }
0x5c: {  	[sflag:s22] =	ssyncset.done $0x0  }
0x5d: {  	[sflag:s22] =	ssyncadd.s32 $0xFFFFFF80  }
0x5e: {  	_ =	swait.ge [sflag:s22], $0x80  }
0x5f: {  	[sflag:s22] =	ssyncset.done $0x0  }
0x60: {  	[sflag:s22] =	ssyncadd.s32 $0xFFFFFF80;
	s2 =	simm.s32 $0x0;
	s19 =	simm.s32 $0x4000  }
0x61: {  	[hbm4b:s10+s2] =	stream.linear.scatter [tilespmem:s19], [sflag:$0x2], $0x2000, $0x38;
	[tilespmem:$0x12230] =	vst v63  }
0x62: {  	s24 =	simm.s32 $0x6000  }
0x63: {  	[hbm4b:s11+s2] =	stream.linear.scatter [tilespmem:s24], [sflag:$0x2], $0x2000, $0x38;
	[tilespmem:$0x12230] =	vst v63  }
0x64: {  	s25 =	simm.s32 $0x8000  }
0x65: {  	[hbm4b:s12+s2] =	stream.linear.scatter [tilespmem:s25], [sflag:$0x2], $0x2000, $0x38;
	[tilespmem:$0x12230] =	vst v63  }
0x66: {  	_ = 	snop  }
0x67: {  	[hbm4b:s13+s2] =	stream.linear.scatter [tilespmem:s26], [sflag:$0x2], $0x2000, $0x38;
	[tilespmem:$0x12230] =	vst v63  }
0x68: {  	v1 =	vld [tilespmem:$0x10200]  }
0x69: {  	v2 =	vld [tilespmem:$0x10210];
	_ =	sdelay $0x3  }
0x6a: {  	v1 =	vnsel vm0, $0x0, v1  }
0x6b: {  	(xrf2) =	vadd.scan.msk.f32 $0xffff, v1;
	v1 =	vnsel vm0, $0x0, v2  }
0x6c: {  	(xrf2) =	vadd.scan.msk.f32 $0xffff, v1;
	_ =	sdelay $0x1  }
0x6d: {  	s2 =	simm.s32 $0x0  }
0x6e: {  	v5 =	vld [tilespmem:s2+$0x4000]  }
0x6f: {  	v6 =	vld [tilespmem:s2+$0x8000]  }
0x70: {  	v7 =	vld [tilespmem:s2+$0x6000]  }
0x71: {  	v8 =	vld [tilespmem:s2+$0xA000];
	_ =	sdelay $0x1  }
0x72: {  	s19 =	simm.s32 $0x10  }
0x73: {  	v3 =	vld [tilespmem:s19+$0x4000];
	v1, _, _ =	vpop (xrf2)  }
0x74: {  	v4 =	vld [tilespmem:s19+$0x8000];
	v9 =	vadd.f32 v6, v5;
	v2, _, _ =	vpop (xrf2)  }
0x75: {  	v8 =	vadd.f32 v8, v7;
	v5 =	vld [tilespmem:s19+$0x6000];
	v1 =	vbroadcast v1, $0xF;
	v2 =	vbroadcast v2, $0xF  }
0x76: {  	v6 =	vld [tilespmem:s19+$0xA000]  }
0x77: {  	s20 =	simm.s32 $0x80;
	v7 =	vmul.f32 v9, v1;
	v8 =	vmul.f32 v8, v2  }
.LBB2_8:
0x78: {  	s23 =	sshra.s32 s20, $0x2;
	v9 =	vmov v3;
	p0 =	sne.s32 s20, $0x7FC0  }
.Ltmp3:
0x79: {  	v3 =	vld [tilespmem:s23+$0x4000];
	v7 =	vadd.f32 v8, v7;
	v8 =	vmov v4;
	(pc) =	sbr.rel @p0 .LBB2_8-.Ltmp3, $4  }
0x7a: {  	v4 =	vld [tilespmem:s23+$0x8000]  }
0x7b: {  	s20 =	sadd.s32 $0x40, s20;
	v8 =	vadd.f32 v8, v9;
	v9 =	vadd.f32 v6, v5;
	v5 =	vld [tilespmem:s23+$0x6000];
	[tilespmem:s2+$0xC000] =	vst v7;
	s2 =	smov.u32 s19  }
0x7c: {  	s19 =	smov.u32 s23;
	v6 =	vld [tilespmem:s23+$0xA000]  }
0x7d: {  	v7 =	vmul.f32 v8, v1;
	v8 =	vmul.f32 v9, v2  }
0x7e: {  	_ =	sdelay $0x2  }
0x7f: {  	v3 =	vadd.f32 v4, v3;
	v4 =	vadd.f32 v6, v5;
	_ =	sdelay $0x1  }
0x80: {  	v1 =	vmul.f32 v3, v1;
	v2 =	vmul.f32 v4, v2  }
0x81: {  	v3 =	vadd.f32 v8, v7  }
0x82: {  	v1 =	vadd.f32 v2, v1  }
0x83: {  	[tilespmem:s2+$0xC000] =	vst v3  }
0x84: {  	[tilespmem:s19+$0xC000] =	vst v1  }
0x85: {  	[spmem:s14] =	stream.linear.scatter [tilespmem:s28], [sflag:$0x3], $0x2000, $0x38;
	[tilespmem:$0x12230] =	vst v63  }
0x86: {  	_ =	swait.ge [sflag:s18], $0x2000  }
0x87: {  	[sflag:s18] =	ssyncset.done $0x0  }
0x88: {  	[sflag:s18] =	ssyncadd.s32 $0xFFFFE000  }
0x89: {  	[bflag:$0x0] =	sbarrier.arrive $0xFFFF  }
0x8a: {  	[tilespmem:s31], [sflag:$0x3] =	stream.strided.gather [spmem:s15], $0x2000, s30, s29, $0x38;
	[tilespmem:$0x12230] =	vst v63  }
0x8b: {  	_ =	swait.ge [sflag:s18], $0x2000  }
0x8c: {  	[sflag:s18] =	ssyncset.done $0x0  }
0x8d: {  	s19 =	simm.s32 $0x0;
	[sflag:s18] =	ssyncadd.s32 $0xFFFFE000  }
0x8e: {  	v2 =	vld [tilespmem:s19+$0xE000]  }
0x8f: {  	v3 =	vld [tilespmem:s19+$0xE200];
	_ =	sdelay $0x1  }
0x90: {  	v4 =	vld [tilespmem:s19+$0xE400];
	_ =	sdelay $0x1  }
0x91: {  	v5 =	vld [tilespmem:s19+$0xE600]  }
0x92: {  	v2 =	vadd.f32 v3, v2  }
0x93: {  	v6 =	vld [tilespmem:s19+$0xE800]  }
0x94: {  	v1 =	vld [tilespmem:$0x10220];
	v2 =	vadd.f32 v4, v2  }
0x95: {  	v3 =	vld [tilespmem:s19+$0xEA00]  }
0x96: {  	s2 =	simm.s32 $0x10;
	v7 =	vld [tilespmem:s19+$0xEC00];
	v2 =	vadd.f32 v5, v2  }
0x97: {  	v9 =	vld [tilespmem:s2+$0xE200]  }
0x98: {  	v4 =	vld [tilespmem:s19+$0xEE00];
	v2 =	vadd.f32 v6, v2  }
0x99: {  	v5 =	vld [tilespmem:s2+$0xE000]  }
0x9a: {  	v8 =	vld [tilespmem:s19+$0xF000];
	v2 =	vadd.f32 v3, v2  }
0x9b: {  	v10 =	vld [tilespmem:s2+$0xE400]  }
0x9c: {  	v11 =	vld [tilespmem:s2+$0xE600];
	v2 =	vadd.f32 v7, v2  }
0x9d: {  	v6 =	vld [tilespmem:s19+$0xF200]  }
0x9e: {  	v3 =	vld [tilespmem:s19+$0xF400];
	v5 =	vadd.f32 v9, v5;
	v2 =	vadd.f32 v4, v2  }
0x9f: {  	v9 =	vld [tilespmem:s2+$0xE800]  }
0xa0: {  	v7 =	vld [tilespmem:s19+$0xF600];
	v5 =	vadd.f32 v10, v5;
	v2 =	vadd.f32 v8, v2  }
0xa1: {  	v10 =	vld [tilespmem:s2+$0xEA00]  }
0xa2: {  	v4 =	vld [tilespmem:s19+$0xF800];
	v5 =	vadd.f32 v11, v5;
	v2 =	vadd.f32 v6, v2  }
0xa3: {  	v11 =	vld [tilespmem:s2+$0xEC00]  }
0xa4: {  	v8 =	vld [tilespmem:s19+$0xFA00];
	v5 =	vadd.f32 v9, v5;
	v2 =	vadd.f32 v3, v2  }
0xa5: {  	v9 =	vld [tilespmem:s2+$0xEE00]  }
0xa6: {  	v6 =	vld [tilespmem:s19+$0xFC00];
	v5 =	vadd.f32 v10, v5;
	v2 =	vadd.f32 v7, v2  }
0xa7: {  	v10 =	vld [tilespmem:s2+$0xF000]  }
0xa8: {  	v3 =	vld [tilespmem:s19+$0xFE00];
	v5 =	vadd.f32 v11, v5;
	v2 =	vadd.f32 v4, v2  }
0xa9: {  	s20 =	simm.s32 $0x20;
	v4 =	vld [tilespmem:s2+$0xF200]  }
0xaa: {  	v11 =	vld [tilespmem:s20+$0xE200];
	v5 =	vadd.f32 v9, v5;
	v2 =	vadd.f32 v8, v2  }
0xab: {  	v8 =	vld [tilespmem:s2+$0xF400]  }
0xac: {  	v7 =	vld [tilespmem:s20+$0xE000];
	v5 =	vadd.f32 v10, v5;
	v2 =	vadd.f32 v6, v2  }
0xad: {  	v6 =	vld [tilespmem:s2+$0xF600]  }
0xae: {  	v9 =	vld [tilespmem:s20+$0xE400];
	v4 =	vadd.f32 v4, v5;
	v2 =	vadd.f32 v3, v2;
	_ =	sdelay $0x1  }
0xaf: {  	v10 =	vld [tilespmem:s20+$0xE600];
	v4 =	vadd.f32 v8, v4;
	v2 =	vadd.f32 v2, v1  }
0xb0: {  	v7 =	vadd.f32 v11, v7  }
0xb1: {  	v5 =	vld [tilespmem:s20+$0xE800];
	v4 =	vadd.f32 v6, v4;
	v6 =	vsub.f32 $0.0e+00, v2  }
0xb2: {  	v11 =	vld [tilespmem:s2+$0xF800];
	v3 =	vadd.f32 v9, v7  }
0xb3: {  	v7 =	vld [tilespmem:s20+$0xEA00];
	v6 =	vmul.f32 $1.442695020e+00, v6  }
0xb4: {  	v8 =	vld [tilespmem:s2+$0xFA00];
	v3 =	vadd.f32 v10, v3  }
0xb5: {  	v9 =	vld [tilespmem:s20+$0xEC00];
	(erf) = vpow2.f32 v6  }
0xb6: {  	v10 =	vld [tilespmem:s2+$0xFC00];
	v5 =	vadd.f32 v5, v3  }
0xb7: {  	v3 =	vld [tilespmem:s20+$0xEE00];
	v11 =	vadd.f32 v11, v4  }
0xb8: {  	v2 =	vld [tilespmem:s2+$0xFE00];
	v7 =	vadd.f32 v7, v5  }
0xb9: {  	s23 =	simm.s32 $0x30;
	v4 =	vld [tilespmem:s20+$0xF000];
	v11 =	vadd.f32 v8, v11  }
0xba: {  	v5 =	vld [tilespmem:s23+$0xE000];
	v8 =	vadd.f32 v9, v7  }
0xbb: {  	s24 =	simm.s32 $0x100;
	v6 =	vld [tilespmem:s23+$0xE200];
	v7 =	vadd.f32 v10, v11  }
.LBB2_10:
0xbc: {  	p0 =	sne.s32 s24, $0x7C0;
	v3 =	vadd.f32 v3, v8;
	v8 =	vld [tilespmem:s20+$0xF200];
	s25 =	smov.u32 s20;
	s20 =	smov.u32 s23  }
0xbd: {  	v9 =	vld [tilespmem:s20+$0xE400];
	v2 =	vadd.f32 v2, v7  }
0xbe: {  	v3 =	vadd.f32 v4, v3;
	v4 =	vld [tilespmem:s25+$0xF400];
	v7 =	vpop (erf)  }
0xbf: {  	v10 =	vld [tilespmem:s20+$0xE600];
	v2 =	vadd.f32 v2, v1;
	v7 =	vadd.f32 $1.000000000e+00, v7  }
0xc0: {  	v5 =	vadd.f32 v6, v5;
	v6 =	vld [tilespmem:s25+$0xF600]  }
0xc1: {  	v11 =	vld [tilespmem:s20+$0xE800];
	v3 =	vadd.f32 v8, v3;
	v2 =	vsub.f32 $0.0e+00, v2;
	(erf) = vrcp.f32 v7  }
0xc2: {  	v5 =	vadd.f32 v9, v5;
	v7 =	vld [tilespmem:s25+$0xF800]  }
0xc3: {  	v8 =	vld [tilespmem:s20+$0xEA00];
	v3 =	vadd.f32 v4, v3;
	v2 =	vmul.f32 $1.442695020e+00, v2  }
0xc4: {  	v4 =	vadd.f32 v10, v5;
	v5 =	vld [tilespmem:s25+$0xFA00]  }
0xc5: {  	v9 =	vld [tilespmem:s20+$0xEC00];
	v6 =	vadd.f32 v6, v3;
	(erf) = vpow2.f32 v2  }
0xc6: {  	v2 =	vadd.f32 v11, v4;
	v10 =	vld [tilespmem:s25+$0xFC00]  }
.Ltmp4:
0xc7: {  	v3 =	vld [tilespmem:s20+$0xEE00];
	v6 =	vadd.f32 v7, v6;
	(pc) =	sbr.rel @p0 .LBB2_10-.Ltmp4, $4  }
0xc8: {  	v7 =	vadd.f32 v8, v2;
	v2 =	vld [tilespmem:s25+$0xFE00]  }
0xc9: {  	s23 =	sshra.s32 s24, $0x2;
	v4 =	vld [tilespmem:s20+$0xF000];
	v11 =	vadd.f32 v5, v6  }
0xca: {  	v5 =	vld [tilespmem:s23+$0xE000];
	v8 =	vadd.f32 v9, v7;
	v9 =	vpop (erf)  }
0xcb: {  	s24 =	sadd.s32 $0x40, s24;
	v6 =	vld [tilespmem:s23+$0xE200];
	v7 =	vadd.f32 v10, v11;
	[tilespmem:s19+$0x10000] =	vst v9;
	s19 =	smov.u32 s2;
	s2 =	smov.u32 s25  }
0xcc: {  	_ =	sdelay $0x1  }
0xcd: {  	v10 =	vld [tilespmem:s23+$0xE400];
	v11 =	vpop (erf)  }
0xce: {  	v9 =	vld [tilespmem:s20+$0xF200];
	v11 =	vadd.f32 $1.000000000e+00, v11  }
0xcf: {  	v3 =	vadd.f32 v3, v8;
	v46 =	vld [tilespmem:s23+$0xE600]  }
0xd0: {  	v12 =	vld [tilespmem:s20+$0xF400];
	v5 =	vadd.f32 v6, v5;
	(erf) = vrcp.f32 v11  }
0xd1: {  	v48 =	vld [tilespmem:s23+$0xE800];
	v3 =	vadd.f32 v4, v3  }
0xd2: {  	v47 =	vld [tilespmem:s20+$0xF600];
	v2 =	vadd.f32 v2, v7;
	v5 =	vadd.f32 v10, v5  }
0xd3: {  	v50 =	vld [tilespmem:s23+$0xEA00];
	v3 =	vadd.f32 v9, v3  }
0xd4: {  	v49 =	vld [tilespmem:s20+$0xF800];
	v2 =	vadd.f32 v2, v1;
	v5 =	vadd.f32 v46, v5  }
0xd5: {  	v52 =	vld [tilespmem:s23+$0xEC00];
	v3 =	vadd.f32 v12, v3  }
0xd6: {  	v51 =	vld [tilespmem:s20+$0xFA00];
	v2 =	vsub.f32 $0.0e+00, v2;
	v4 =	vadd.f32 v48, v5  }
0xd7: {  	v54 =	vld [tilespmem:s23+$0xEE00];
	v3 =	vadd.f32 v47, v3  }
0xd8: {  	v53 =	vld [tilespmem:s20+$0xFC00];
	v2 =	vmul.f32 $1.442695020e+00, v2;
	v4 =	vadd.f32 v50, v4  }
0xd9: {  	v56 =	vld [tilespmem:s23+$0xF000];
	v3 =	vadd.f32 v49, v3;
	v11 =	vpop (erf)  }
0xda: {  	v55 =	vld [tilespmem:s20+$0xFE00];
	(erf) = vpow2.f32 v2;
	v2 =	vadd.f32 v52, v4;
	[tilespmem:s19+$0x10000] =	vst v11  }
0xdb: {  	v3 =	vadd.f32 v51, v3;
	v57 =	vld [tilespmem:s23+$0xF200]  }
0xdc: {  	v2 =	vadd.f32 v54, v2  }
0xdd: {  	v3 =	vadd.f32 v53, v3;
	v58 =	vld [tilespmem:s23+$0xF400]  }
0xde: {  	v2 =	vadd.f32 v56, v2  }
0xdf: {  	v59 =	vld [tilespmem:s23+$0xF600];
	v3 =	vadd.f32 v55, v3  }
0xe0: {  	v2 =	vadd.f32 v57, v2  }
0xe1: {  	v60 =	vld [tilespmem:s23+$0xF800];
	v3 =	vadd.f32 v3, v1  }
0xe2: {  	v2 =	vadd.f32 v58, v2  }
0xe3: {  	v62 =	vld [tilespmem:s23+$0xFA00];
	v3 =	vsub.f32 $0.0e+00, v3;
	v61 =	vpop (erf)  }
0xe4: {  	v5 =	vadd.f32 $1.000000000e+00, v61;
	v2 =	vadd.f32 v59, v2  }
0xe5: {  	v63 =	vld [tilespmem:s23+$0xFC00];
	v3 =	vmul.f32 $1.442695020e+00, v3  }
0xe6: {  	(erf) = vrcp.f32 v5;
	v2 =	vadd.f32 v60, v2  }
0xe7: {  	(erf) = vpow2.f32 v3;
	v3 =	vld [tilespmem:s23+$0xFE00]  }
0xe8: {  	v2 =	vadd.f32 v62, v2;
	_ =	sdelay $0x1  }
0xe9: {  	v2 =	vadd.f32 v63, v2;
	_ =	sdelay $0x1  }
0xea: {  	v2 =	vadd.f32 v3, v2;
	_ =	sdelay $0x2  }
0xeb: {  	v1 =	vadd.f32 v2, v1  }
0xec: {  	v2 =	vpop (erf)  }
0xed: {  	v1 =	vsub.f32 $0.0e+00, v1;
	v3 =	vpop (erf)  }
0xee: {  	v3 =	vadd.f32 $1.000000000e+00, v3  }
0xef: {  	v1 =	vmul.f32 $1.442695020e+00, v1  }
0xf0: {  	(erf) = vrcp.f32 v3  }
0xf1: {  	(erf) = vpow2.f32 v1;
	_ =	sdelay $0x7  }
0xf2: {  	v1 =	vpop (erf)  }
0xf3: {  	v3 =	vpop (erf)  }
0xf4: {  	v3 =	vadd.f32 $1.000000000e+00, v3;
	_ =	sdelay $0x1  }
0xf5: {  	(erf) = vrcp.f32 v3;
	_ =	sdelay $0x7  }
0xf6: {  	[tilespmem:s2+$0x10000] =	vst v2  }
0xf7: {  	[tilespmem:s20+$0x10000] =	vst v1;
	v1 =	vpop (erf)  }
0xf8: {  	[tilespmem:s23+$0x10000] =	vst v1  }
0xf9: {  	[hbm4b:s16+s3] =	stream.linear.scatter [tilespmem:s0], [sflag:$0x3], $0x200, $0x38;
	[tilespmem:$0x12230] =	vst v63  }
0xfa: {  	_ =	swait.ge [sflag:s18], $0x200  }
0xfb: {  	[sflag:s18] =	ssyncset.done $0x0  }
0xfc: {  	[sflag:s18] =	ssyncadd.s32 $0xFFFFFE00  }
0xfd: {  	_ =	swait.ge [sflag:s4], $0x2000  }
0xfe: {  	[sflag:s4] =	ssyncset.done $0x0  }
0xff: {  	[sflag:s4] =	ssyncadd.s32 $0xFFFFE000  }
0x100: {  	_ =	swait.ge [sflag:s4], $0x2000  }
0x101: {  	[sflag:s4] =	ssyncset.done $0x0  }
0x102: {  	s1 =	sadd.s32 $0x1, s1;
	[sflag:s4] =	ssyncadd.s32 $0xFFFFE000  }
0x103: {  	p0 =	sne.s32 s1, s17;
	_ =	swait.ge [sflag:s4], $0x2000  }
.Ltmp5:
0x104: {  	[sflag:s4] =	ssyncset.done $0x0;
	(pc) =	sbr.rel @p0 .LBB2_1-.Ltmp5, $4  }
0x105: {  	[sflag:s4] =	ssyncadd.s32 $0xFFFFE000  }
0x106: {  	_ =	swait.ge [sflag:s4], $0x2000  }
0x107: {  	[sflag:s4] =	ssyncset.done $0x0  }
0x108: {  	[sflag:s4] =	ssyncadd.s32 $0xFFFFE000  }
0x109: {  	_ =	sfence.sel $0x180000  }
0x10a: {  	[bflag:$0x0] =	sbarrier.arrive $0xFFFF  }
0x10b: {  	_ =	strace $0x90000047  }
0x10c: {  	s0 =	stileid.u32;
	[bflag:$0x2] =	sbarrier.arrive $0xFFFF  }
0x10d: {  	p0 =	sne.s32 s0, $0x0;
	s0 =	rddreg [dreg:$0x7]  }
0x10e: {  	s0 =	sadd.s32 @!p0 $0x100000, s0  }
0x10f: {  	[sflag:s0] =	ssyncadd.tile.s32 @!p0 $0x1;
	_ =	shalt  }
.Lfunc_end2:
_tile_overlayer_lowered:
.L_overlay_start_2:
0x110: {  	(tag) =	ssettag $0x2  }
0x111: {  	s0 =	rddreg [dreg:$0x0];
	s2 =	stileid.u32  }
0x112: {  	s1 =	rddreg [dreg:$0x1];
	p0 =	sne.s32 s2, $0x0  }
0x113: {  	s3 =	rddreg [dreg:$0x2];
	[bflag:$0x3] =	sbarrier.arrive $0xFFFF;
	s2 =	simm.s32 @!p0 $0x1C03  }
0x114: {  	[timem:s3], [sflag:s2] =	dma.local @!p0 [hbm:s0], s1  }
0x115: {  	s0 =	simm.s32 @!p0 $0x3  }
0x116: {  	_ =	swait.ge @!p0 [sflag:s0], s1  }
0x117: {  	s1 =	ssub.s32 @!p0 $0x0, s1;
	[sflag:s0] =	ssyncset.done @!p0 $0x0  }
0x118: {  	[sflag:s0] =	ssyncadd.s32 @!p0 s1  }
0x119: {  	[bflag:$0x3] =	sbarrier.arrive $0xFFFF  }
0x11a: {  	_ =	shalt  }

</sc_bundles>
